<compile_context>
chip_gen: v7x
topology: tpu7x:2x2x1
jax: 0.10.2.dev20260603
libtpu: 0.0.44.dev20260713+nightly
codegen_flags: <defaults>
</compile_context>

<pallas_src>
import jax
import jax.numpy as jnp
from jax import lax
from jax.experimental import pallas as pl
from jax.experimental.pallas import tpu as pltpu
from jax.experimental.pallas import tpu_sc as plsc

N = 320000
H = 128
HH = H // 2
B = 512

NC = 2
NS = 16
ROWS_PER_S = N // NS
D = 125
NDMA = ROWS_PER_S // D
NPAIR = NDMA // 2


def _sc_body(emb_hbm, ids_hbm, acc_out, cnt_out,
             ids_v, buf0, buf1, ones_v, zb, zbc, acc, cnt,
             dsem0, dsem1):
    cid = lax.axis_index("c")
    sid = lax.axis_index("s")
    wid = cid * NS + sid
    base = sid * ROWS_PER_S
    col0 = cid * HH
    duty = cid == 0

    zeros16 = jnp.zeros((16,), jnp.float32)
    ones16 = jnp.ones((16,), jnp.float32)

    pltpu.sync_copy(ids_hbm.at[sid], ids_v)

    def _zrow(r, c):
        for g in range(4):
            zb[r, pl.ds(g * 16, 16)] = zeros16
        zbc[r, :] = zeros16
        return c
    lax.fori_loop(0, 128, _zrow, 0)

    def _orow(r, c):
        ones_v[r, :] = ones16
        return c
    lax.fori_loop(0, D, _orow, 0)

    for qq in range(4):
        pltpu.sync_copy(zb, acc.at[pl.ds(qq * 128, 128)])
        pltpu.sync_copy(zbc, cnt.at[pl.ds(qq * 128, 128)])

    def _src(j):
        return emb_hbm.at[pl.ds(base + j * D, D), pl.ds(col0, HH)]

    pltpu.async_copy(_src(0), buf0, dsem0)
    pltpu.async_copy(_src(1), buf1, dsem1)

    def _pair(t, c):
        for b in (0, 1):
            buf, dsem = (buf0, dsem0) if b == 0 else (buf1, dsem1)
            j = t * 2 + b
            pltpu.make_async_copy(_src(j), buf, dsem).wait()
            idx = ids_v.at[j]
            pltpu.sync_copy(buf, acc.at[idx], add=True)

            @pl.when(duty)
            def _():
                pltpu.sync_copy(ones_v, cnt.at[idx], add=True)

            @pl.when(j + 2 < NDMA)
            def _():
                pltpu.async_copy(_src(j + 2), buf, dsem)
        return c
    lax.fori_loop(0, NPAIR, _pair, 0)

    pltpu.sync_copy(acc, acc_out.at[wid])

    @pl.when(duty)
    def _():
        pltpu.sync_copy(cnt, cnt_out.at[sid])


def _make_sc_segsum(interpret=False):
    mesh = plsc.VectorSubcoreMesh(core_axis_name="c", subcore_axis_name="s")
    return pl.kernel(
        _sc_body,
        out_type=(
            jax.ShapeDtypeStruct((NC * NS, B, HH), jnp.float32),
            jax.ShapeDtypeStruct((NS, B, 16), jnp.float32),
        ),
        mesh=mesh,
        scratch_types=[
            pltpu.VMEM((NDMA, D), jnp.int32),
            pltpu.VMEM((D, HH), jnp.float32),
            pltpu.VMEM((D, HH), jnp.float32),
            pltpu.VMEM((D, 16), jnp.float32),
            pltpu.VMEM((128, HH), jnp.float32),
            pltpu.VMEM((128, 16), jnp.float32),
            pltpu.VMEM_SHARED((B, HH), jnp.float32),
            pltpu.VMEM_SHARED((B, 16), jnp.float32),
            pltpu.SemaphoreType.DMA,
            pltpu.SemaphoreType.DMA,
        ],
        compiler_params=pltpu.CompilerParams(use_tc_tiling_on_sc=False),
        interpret=interpret,
    )


def _tc_body(acc_ref, cnt_ref, w1_ref, b1_ref, w2_ref, b2_ref, o_ref):
    left = jnp.sum(acc_ref[0], axis=0)
    right = jnp.sum(acc_ref[1], axis=0)
    sums = jnp.concatenate([left, right], axis=1)
    cnts = jnp.sum(cnt_ref[...], axis=0)
    cnt = cnts[:, 0:1]
    mean = sums / jnp.maximum(cnt, 1.0)
    h = jnp.dot(mean, w1_ref[...], preferred_element_type=jnp.float32)
    h = jnp.maximum(h + b1_ref[...], 0.0)
    z = jnp.dot(h, w2_ref[...], preferred_element_type=jnp.float32)
    z = z + b2_ref[...]
    o_ref[...] = 1.0 / (1.0 + jnp.exp(-z))


def _tc_mlp(acc, cnt, W1, b1, W2, b2):
    return pl.pallas_call(
        _tc_body,
        out_shape=jax.ShapeDtypeStruct((B, 1), jnp.float32),
    )(acc, cnt, W1, b1, W2, b2)


@jax.jit
def kernel(v_embedding, segment_ids, W1, b1, W2, b2):
    ids = segment_ids.astype(jnp.int32).reshape(NS, NDMA, D)
    sc_fn = _make_sc_segsum()
    acc, cnt = sc_fn(v_embedding, ids)
    out = _tc_mlp(acc.reshape(NC, NS, B, HH), cnt,
                  W1, b1.reshape(1, H), W2, b2.reshape(1, 1))
    return out[:, 0]

# --- scband reference (transcript-rebuilt; emitter-appended) ---
"""Pipeline reference for scband-vcgwrapper-27144193311184 (READ-ONLY COPY).

The authoritative reference and input builder live on the scoring server;
editing this copy changes nothing except your own understanding.
"""

import jax, jax.numpy as jnp
import numpy as np

N = 320000
H = 128
B = 512

def setup_inputs(seed: int = 0) -> dict:
    key = jax.random.key(seed)
    k1, k2, k3, k4 = jax.random.split(key, 4)
    v_embedding = jax.random.normal(k1, (N, H), dtype=jnp.float32)
    segment_ids = jnp.sort(jax.random.randint(k2, (N,), 0, B, dtype=jnp.int64))
    # MLP readout params (num_fc=2: Linear(H,H) -> ReLU -> Linear(H,1))
    W1 = jax.random.normal(k3, (H, H), dtype=jnp.float32) * (1.0 / np.sqrt(H))
    b1 = jnp.zeros((H,), dtype=jnp.float32)
    W2 = jax.random.normal(k4, (H, 1), dtype=jnp.float32) * (1.0 / np.sqrt(H))
    b2 = jnp.zeros((1,), dtype=jnp.float32)
    return {"v_embedding": v_embedding, "segment_ids": segment_ids,
            "W1": W1, "b1": b1, "W2": W2, "b2": b2}

def reference(v_embedding, segment_ids, W1, b1, W2, b2):
    # dgl.ops.segment_reduce(num_variable, v_embedding, reducer='mean')
    sums = jax.ops.segment_sum(v_embedding, segment_ids, num_segments=B)
    counts = jax.ops.segment_sum(jnp.ones((v_embedding.shape[0],), dtype=v_embedding.dtype),
                                 segment_ids, num_segments=B)
    g_pooling = sums / jnp.maximum(counts, 1.0)[:, None]
    # graph_readout MLP: Linear -> ReLU -> Linear, then squeeze(-1)
    h = jax.nn.relu(g_pooling @ W1 + b1)
    g_embedding = (h @ W2 + b2).squeeze(-1)
    # self.sigmoid == True
    g_embedding = jax.nn.sigmoid(g_embedding)
    return g_embedding

if __name__ == "__main__":
    import jax
    _d = setup_inputs()
    print(jax.jit(kernel)(*tuple(_d.values())))

</pallas_src>

<mosaic_0001>
#map = affine_map<(d0, d1) -> (0, 0)>
#map1 = affine_map<(d0, d1) -> (0, 0, 0)>
module attributes {stable_mosaic.version = 14 : i64} {
  func.func @_sc_body(%arg0: i32, %arg1: i32, %arg2: memref<320000x128xf32, #tpu.memory_space<hbm>>, %arg3: memref<16x160x125xi32, #tpu.memory_space<hbm>>, %arg4: memref<32x512x64xf32, #tpu.memory_space<hbm>>, %arg5: memref<16x512x16xf32, #tpu.memory_space<hbm>>, %arg6: memref<160x125xi32, #tpu.memory_space<vmem>>, %arg7: memref<125x64xf32, #tpu.memory_space<vmem>>, %arg8: memref<125x64xf32, #tpu.memory_space<vmem>>, %arg9: memref<125x16xf32, #tpu.memory_space<vmem>>, %arg10: memref<128x64xf32, #tpu.memory_space<vmem>>, %arg11: memref<128x16xf32, #tpu.memory_space<vmem>>, %arg12: memref<512x64xf32, #tpu.memory_space<vmem_shared>>, %arg13: memref<512x16xf32, #tpu.memory_space<vmem_shared>>, %arg14: memref<!tpu.dma_semaphore, #tpu.memory_space<semaphore_mem>>, %arg15: memref<!tpu.dma_semaphore, #tpu.memory_space<semaphore_mem>>) attributes {dimension_semantics = [#tpu.dimension_semantics<core_parallel>, #tpu.dimension_semantics<subcore_parallel>], iteration_bounds = array<i64: 2, 16>, scalar_prefetch = 0 : i64, scratch_operands = 10 : i64, tpu.core_type = #tpu.core_type<sc_vector_subcore>, window_params = [{transform_indices = #map}, {transform_indices = #map1}, {transform_indices = #map1}, {transform_indices = #map1}]} {
    %mul3A = arith.constant 16 : i32
    %mul3A_0 = arith.muli %arg0, %mul3A : i32
    %add3A = arith.addi %mul3A_0, %arg1 : i32
    %mul3A_1 = arith.constant 20000 : i32
    %mul3A_2 = arith.muli %arg1, %mul3A_1 : i32
    %mul3A_3 = arith.constant 64 : i32
    %mul3A_4 = arith.muli %arg0, %mul3A_3 : i32
    %eq3A = arith.constant 0 : i32
    %eq3A_5 = arith.cmpi eq, %arg0, %eq3A : i32
    %broadcast_in_dim3A = arith.constant 0.000000e+00 : f32
    %broadcast_in_dim3A_6 = vector.broadcast %broadcast_in_dim3A : f32 to vector<16xf32>
    %broadcast_in_dim3A_7 = arith.constant 1.000000e+00 : f32
    %broadcast_in_dim3A_8 = vector.broadcast %broadcast_in_dim3A_7 : f32 to vector<16xf32>
    "tpu.region"() ({
      %run_scoped3A = tpu.sem_alloc : memref<!tpu.dma_semaphore, #tpu.memory_space<semaphore_mem>>
      %dma_start3A_34 = arith.constant 0 : i32
      %dma_start3A_35 = arith.constant 0 : i32
      %dma_start3A_36 = tpu.memref_slice %arg3[%arg1, %dma_start3A_34, %dma_start3A_35] : memref<16x160x125xi32, #tpu.memory_space<hbm>> -> memref<1x160x125xi32, #tpu.memory_space<hbm>>
      %dma_start3A_37 = tpu.memref_squeeze %dma_start3A_36 : memref<1x160x125xi32, #tpu.memory_space<hbm>> -> memref<160x125xi32, #tpu.memory_space<hbm>>
      %dma_start3A_38 = arith.constant 0 : i32
      %dma_start3A_39 = arith.constant 0 : i32
      %dma_start3A_40 = tpu.memref_slice %arg3[%arg1, %dma_start3A_38, %dma_start3A_39] : memref<16x160x125xi32, #tpu.memory_space<hbm>> -> memref<1x160x125xi32, #tpu.memory_space<hbm>>
      %dma_start3A_41 = tpu.memref_squeeze %dma_start3A_40 : memref<1x160x125xi32, #tpu.memory_space<hbm>> -> memref<160x125xi32, #tpu.memory_space<hbm>>
      tpu.enqueue_dma source(%dma_start3A_41 : memref<160x125xi32, #tpu.memory_space<hbm>>) target(%arg6 : memref<160x125xi32, #tpu.memory_space<vmem>>) target_semaphore(%run_scoped3A : memref<!tpu.dma_semaphore, #tpu.memory_space<semaphore_mem>>)
      %dma_wait3A = arith.constant 0 : i32
      %dma_wait3A_42 = arith.constant 0 : i32
      %dma_wait3A_43 = tpu.memref_slice %arg3[%arg1, %dma_wait3A, %dma_wait3A_42] : memref<16x160x125xi32, #tpu.memory_space<hbm>> -> memref<1x160x125xi32, #tpu.memory_space<hbm>>
      %dma_wait3A_44 = tpu.memref_squeeze %dma_wait3A_43 : memref<1x160x125xi32, #tpu.memory_space<hbm>> -> memref<160x125xi32, #tpu.memory_space<hbm>>
      %dma_wait3A_45 = arith.constant 0 : i32
      %dma_wait3A_46 = arith.constant 0 : i32
      %dma_wait3A_47 = tpu.memref_slice %arg3[%arg1, %dma_wait3A_45, %dma_wait3A_46] : memref<16x160x125xi32, #tpu.memory_space<hbm>> -> memref<1x160x125xi32, #tpu.memory_space<hbm>>
      %dma_wait3A_48 = tpu.memref_squeeze %dma_wait3A_47 : memref<1x160x125xi32, #tpu.memory_space<hbm>> -> memref<160x125xi32, #tpu.memory_space<hbm>>
      tpu.wait_dma2 semaphore(%run_scoped3A : memref<!tpu.dma_semaphore, #tpu.memory_space<semaphore_mem>>) src(%dma_wait3A_48 : memref<160x125xi32, #tpu.memory_space<hbm>>) dst(%arg6 : memref<160x125xi32, #tpu.memory_space<vmem>>)
      tpu.yield
    }) : () -> ()
    %scan3A = arith.constant 0 : i32
    %scan3A_9 = arith.constant 0 : i32
    %scan3A_10 = arith.constant 128 : i32
    %scan3A_11 = arith.addi %scan3A_9, %scan3A_10 : i32
    %scan3A_12 = arith.constant 1 : i32
    scf.for %scan3A_34 = %scan3A_9 to %scan3A_11 step %scan3A_12  : i32 {
      %swap3A = arith.index_cast %scan3A_34 : i32 to index
      %swap3A_35 = arith.constant 0 : index
      %swap3A_36 = tpu.vector_load %arg10[%swap3A, %swap3A_35] {strides = array<i32>} : memref<128x64xf32, #tpu.memory_space<vmem>>, vector<1x16xf32>,
      %swap3A_37 = vector.shape_cast %swap3A_36 : vector<1x16xf32> to vector<16xf32>
      %swap3A_38 = vector.shape_cast %broadcast_in_dim3A_6 : vector<16xf32> to vector<1x16xf32>
      tpu.vector_store %arg10[%swap3A, %swap3A_35], %swap3A_38 {strides = array<i32>} : memref<128x64xf32, #tpu.memory_space<vmem>>, vector<1x16xf32>,
      %swap3A_39 = arith.index_cast %scan3A_34 : i32 to index
      %swap3A_40 = arith.constant 16 : index
      %swap3A_41 = tpu.vector_load %arg10[%swap3A_39, %swap3A_40] {strides = array<i32>} : memref<128x64xf32, #tpu.memory_space<vmem>>, vector<1x16xf32>,
      %swap3A_42 = vector.shape_cast %swap3A_41 : vector<1x16xf32> to vector<16xf32>
      %swap3A_43 = vector.shape_cast %broadcast_in_dim3A_6 : vector<16xf32> to vector<1x16xf32>
      tpu.vector_store %arg10[%swap3A_39, %swap3A_40], %swap3A_43 {strides = array<i32>} : memref<128x64xf32, #tpu.memory_space<vmem>>, vector<1x16xf32>,
      %swap3A_44 = arith.index_cast %scan3A_34 : i32 to index
      %swap3A_45 = arith.constant 32 : index
      %swap3A_46 = tpu.vector_load %arg10[%swap3A_44, %swap3A_45] {strides = array<i32>} : memref<128x64xf32, #tpu.memory_space<vmem>>, vector<1x16xf32>,
      %swap3A_47 = vector.shape_cast %swap3A_46 : vector<1x16xf32> to vector<16xf32>
      %swap3A_48 = vector.shape_cast %broadcast_in_dim3A_6 : vector<16xf32> to vector<1x16xf32>
      tpu.vector_store %arg10[%swap3A_44, %swap3A_45], %swap3A_48 {strides = array<i32>} : memref<128x64xf32, #tpu.memory_space<vmem>>, vector<1x16xf32>,
      %swap3A_49 = arith.index_cast %scan3A_34 : i32 to index
      %swap3A_50 = arith.constant 48 : index
      %swap3A_51 = tpu.vector_load %arg10[%swap3A_49, %swap3A_50] {strides = array<i32>} : memref<128x64xf32, #tpu.memory_space<vmem>>, vector<1x16xf32>,
      %swap3A_52 = vector.shape_cast %swap3A_51 : vector<1x16xf32> to vector<16xf32>
      %swap3A_53 = vector.shape_cast %broadcast_in_dim3A_6 : vector<16xf32> to vector<1x16xf32>
      tpu.vector_store %arg10[%swap3A_49, %swap3A_50], %swap3A_53 {strides = array<i32>} : memref<128x64xf32, #tpu.memory_space<vmem>>, vector<1x16xf32>,
      %swap3A_54 = arith.index_cast %scan3A_34 : i32 to index
      %swap3A_55 = arith.constant 0 : index
      %swap3A_56 = tpu.vector_load %arg11[%swap3A_54, %swap3A_55] {strides = array<i32>} : memref<128x16xf32, #tpu.memory_space<vmem>>, vector<1x16xf32>,
      %swap3A_57 = vector.shape_cast %swap3A_56 : vector<1x16xf32> to vector<16xf32>
      %swap3A_58 = vector.shape_cast %broadcast_in_dim3A_6 : vector<16xf32> to vector<1x16xf32>
      tpu.vector_store %arg11[%swap3A_54, %swap3A_55], %swap3A_58 {strides = array<i32>} : memref<128x16xf32, #tpu.memory_space<vmem>>, vector<1x16xf32>,
    }
    %scan3A_13 = arith.constant 128 : i32
    %scan3A_14 = arith.constant 0 : i32
    %scan3A_15 = arith.constant 0 : i32
    %scan3A_16 = arith.constant 125 : i32
    %scan3A_17 = arith.addi %scan3A_15, %scan3A_16 : i32
    %scan3A_18 = arith.constant 1 : i32
    scf.for %scan3A_34 = %scan3A_15 to %scan3A_17 step %scan3A_18  : i32 {
      %swap3A = arith.index_cast %scan3A_34 : i32 to index
      %swap3A_35 = arith.constant 0 : index
      %swap3A_36 = tpu.vector_load %arg9[%swap3A, %swap3A_35] {strides = array<i32>} : memref<125x16xf32, #tpu.memory_space<vmem>>, vector<1x16xf32>,
      %swap3A_37 = vector.shape_cast %swap3A_36 : vector<1x16xf32> to vector<16xf32>
      %swap3A_38 = vector.shape_cast %broadcast_in_dim3A_8 : vector<16xf32> to vector<1x16xf32>
      tpu.vector_store %arg9[%swap3A, %swap3A_35], %swap3A_38 {strides = array<i32>} : memref<125x16xf32, #tpu.memory_space<vmem>>, vector<1x16xf32>,
    }
    %scan3A_19 = arith.constant 125 : i32
    "tpu.region"() ({
      %run_scoped3A = tpu.sem_alloc : memref<!tpu.dma_semaphore, #tpu.memory_space<semaphore_mem>>
      %dma_start3A_34 = arith.constant 0 : i32
      %dma_start3A_35 = arith.constant 0 : i32
      %dma_start3A_36 = tpu.memref_slice %arg12[%dma_start3A_34, %dma_start3A_35] : memref<512x64xf32, #tpu.memory_space<vmem_shared>> -> memref<128x64xf32, #tpu.memory_space<vmem_shared>>
      %dma_start3A_37 = arith.constant 0 : i32
      %dma_start3A_38 = arith.constant 0 : i32
      %dma_start3A_39 = tpu.memref_slice %arg12[%dma_start3A_37, %dma_start3A_38] : memref<512x64xf32, #tpu.memory_space<vmem_shared>> -> memref<128x64xf32, #tpu.memory_space<vmem_shared>>
      tpu.enqueue_dma source(%arg10 : memref<128x64xf32, #tpu.memory_space<vmem>>) target(%dma_start3A_39 : memref<128x64xf32, #tpu.memory_space<vmem_shared>>) target_semaphore(%run_scoped3A : memref<!tpu.dma_semaphore, #tpu.memory_space<semaphore_mem>>)
      %dma_wait3A = arith.constant 0 : i32
      %dma_wait3A_40 = arith.constant 0 : i32
      %dma_wait3A_41 = tpu.memref_slice %arg12[%dma_wait3A, %dma_wait3A_40] : memref<512x64xf32, #tpu.memory_space<vmem_shared>> -> memref<128x64xf32, #tpu.memory_space<vmem_shared>>
      %dma_wait3A_42 = arith.constant 0 : i32
      %dma_wait3A_43 = arith.constant 0 : i32
      %dma_wait3A_44 = tpu.memref_slice %arg12[%dma_wait3A_42, %dma_wait3A_43] : memref<512x64xf32, #tpu.memory_space<vmem_shared>> -> memref<128x64xf32, #tpu.memory_space<vmem_shared>>
      tpu.wait_dma2 semaphore(%run_scoped3A : memref<!tpu.dma_semaphore, #tpu.memory_space<semaphore_mem>>) src(%arg10 : memref<128x64xf32, #tpu.memory_space<vmem>>) dst(%dma_wait3A_44 : memref<128x64xf32, #tpu.memory_space<vmem_shared>>)
      tpu.yield
    }) : () -> ()
    "tpu.region"() ({
      %run_scoped3A = tpu.sem_alloc : memref<!tpu.dma_semaphore, #tpu.memory_space<semaphore_mem>>
      %dma_start3A_34 = arith.constant 0 : i32
      %dma_start3A_35 = arith.constant 0 : i32
      %dma_start3A_36 = tpu.memref_slice %arg13[%dma_start3A_34, %dma_start3A_35] : memref<512x16xf32, #tpu.memory_space<vmem_shared>> -> memref<128x16xf32, #tpu.memory_space<vmem_shared>>
      %dma_start3A_37 = arith.constant 0 : i32
      %dma_start3A_38 = arith.constant 0 : i32
      %dma_start3A_39 = tpu.memref_slice %arg13[%dma_start3A_37, %dma_start3A_38] : memref<512x16xf32, #tpu.memory_space<vmem_shared>> -> memref<128x16xf32, #tpu.memory_space<vmem_shared>>
      tpu.enqueue_dma source(%arg11 : memref<128x16xf32, #tpu.memory_space<vmem>>) target(%dma_start3A_39 : memref<128x16xf32, #tpu.memory_space<vmem_shared>>) target_semaphore(%run_scoped3A : memref<!tpu.dma_semaphore, #tpu.memory_space<semaphore_mem>>)
      %dma_wait3A = arith.constant 0 : i32
      %dma_wait3A_40 = arith.constant 0 : i32
      %dma_wait3A_41 = tpu.memref_slice %arg13[%dma_wait3A, %dma_wait3A_40] : memref<512x16xf32, #tpu.memory_space<vmem_shared>> -> memref<128x16xf32, #tpu.memory_space<vmem_shared>>
      %dma_wait3A_42 = arith.constant 0 : i32
      %dma_wait3A_43 = arith.constant 0 : i32
      %dma_wait3A_44 = tpu.memref_slice %arg13[%dma_wait3A_42, %dma_wait3A_43] : memref<512x16xf32, #tpu.memory_space<vmem_shared>> -> memref<128x16xf32, #tpu.memory_space<vmem_shared>>
      tpu.wait_dma2 semaphore(%run_scoped3A : memref<!tpu.dma_semaphore, #tpu.memory_space<semaphore_mem>>) src(%arg11 : memref<128x16xf32, #tpu.memory_space<vmem>>) dst(%dma_wait3A_44 : memref<128x16xf32, #tpu.memory_space<vmem_shared>>)
      tpu.yield
    }) : () -> ()
    "tpu.region"() ({
      %run_scoped3A = tpu.sem_alloc : memref<!tpu.dma_semaphore, #tpu.memory_space<semaphore_mem>>
      %dma_start3A_34 = arith.constant 128 : i32
      %dma_start3A_35 = arith.constant 0 : i32
      %dma_start3A_36 = tpu.memref_slice %arg12[%dma_start3A_34, %dma_start3A_35] : memref<512x64xf32, #tpu.memory_space<vmem_shared>> -> memref<128x64xf32, #tpu.memory_space<vmem_shared>>
      %dma_start3A_37 = arith.constant 128 : i32
      %dma_start3A_38 = arith.constant 0 : i32
      %dma_start3A_39 = tpu.memref_slice %arg12[%dma_start3A_37, %dma_start3A_38] : memref<512x64xf32, #tpu.memory_space<vmem_shared>> -> memref<128x64xf32, #tpu.memory_space<vmem_shared>>
      tpu.enqueue_dma source(%arg10 : memref<128x64xf32, #tpu.memory_space<vmem>>) target(%dma_start3A_39 : memref<128x64xf32, #tpu.memory_space<vmem_shared>>) target_semaphore(%run_scoped3A : memref<!tpu.dma_semaphore, #tpu.memory_space<semaphore_mem>>)
      %dma_wait3A = arith.constant 128 : i32
      %dma_wait3A_40 = arith.constant 0 : i32
      %dma_wait3A_41 = tpu.memref_slice %arg12[%dma_wait3A, %dma_wait3A_40] : memref<512x64xf32, #tpu.memory_space<vmem_shared>> -> memref<128x64xf32, #tpu.memory_space<vmem_shared>>
      %dma_wait3A_42 = arith.constant 128 : i32
      %dma_wait3A_43 = arith.constant 0 : i32
      %dma_wait3A_44 = tpu.memref_slice %arg12[%dma_wait3A_42, %dma_wait3A_43] : memref<512x64xf32, #tpu.memory_space<vmem_shared>> -> memref<128x64xf32, #tpu.memory_space<vmem_shared>>
      tpu.wait_dma2 semaphore(%run_scoped3A : memref<!tpu.dma_semaphore, #tpu.memory_space<semaphore_mem>>) src(%arg10 : memref<128x64xf32, #tpu.memory_space<vmem>>) dst(%dma_wait3A_44 : memref<128x64xf32, #tpu.memory_space<vmem_shared>>)
      tpu.yield
    }) : () -> ()
    "tpu.region"() ({
      %run_scoped3A = tpu.sem_alloc : memref<!tpu.dma_semaphore, #tpu.memory_space<semaphore_mem>>
      %dma_start3A_34 = arith.constant 128 : i32
      %dma_start3A_35 = arith.constant 0 : i32
      %dma_start3A_36 = tpu.memref_slice %arg13[%dma_start3A_34, %dma_start3A_35] : memref<512x16xf32, #tpu.memory_space<vmem_shared>> -> memref<128x16xf32, #tpu.memory_space<vmem_shared>>
      %dma_start3A_37 = arith.constant 128 : i32
      %dma_start3A_38 = arith.constant 0 : i32
      %dma_start3A_39 = tpu.memref_slice %arg13[%dma_start3A_37, %dma_start3A_38] : memref<512x16xf32, #tpu.memory_space<vmem_shared>> -> memref<128x16xf32, #tpu.memory_space<vmem_shared>>
      tpu.enqueue_dma source(%arg11 : memref<128x16xf32, #tpu.memory_space<vmem>>) target(%dma_start3A_39 : memref<128x16xf32, #tpu.memory_space<vmem_shared>>) target_semaphore(%run_scoped3A : memref<!tpu.dma_semaphore, #tpu.memory_space<semaphore_mem>>)
      %dma_wait3A = arith.constant 128 : i32
      %dma_wait3A_40 = arith.constant 0 : i32
      %dma_wait3A_41 = tpu.memref_slice %arg13[%dma_wait3A, %dma_wait3A_40] : memref<512x16xf32, #tpu.memory_space<vmem_shared>> -> memref<128x16xf32, #tpu.memory_space<vmem_shared>>
      %dma_wait3A_42 = arith.constant 128 : i32
      %dma_wait3A_43 = arith.constant 0 : i32
      %dma_wait3A_44 = tpu.memref_slice %arg13[%dma_wait3A_42, %dma_wait3A_43] : memref<512x16xf32, #tpu.memory_space<vmem_shared>> -> memref<128x16xf32, #tpu.memory_space<vmem_shared>>
      tpu.wait_dma2 semaphore(%run_scoped3A : memref<!tpu.dma_semaphore, #tpu.memory_space<semaphore_mem>>) src(%arg11 : memref<128x16xf32, #tpu.memory_space<vmem>>) dst(%dma_wait3A_44 : memref<128x16xf32, #tpu.memory_space<vmem_shared>>)
      tpu.yield
    }) : () -> ()
    "tpu.region"() ({
      %run_scoped3A = tpu.sem_alloc : memref<!tpu.dma_semaphore, #tpu.memory_space<semaphore_mem>>
      %dma_start3A_34 = arith.constant 256 : i32
      %dma_start3A_35 = arith.constant 0 : i32
      %dma_start3A_36 = tpu.memref_slice %arg12[%dma_start3A_34, %dma_start3A_35] : memref<512x64xf32, #tpu.memory_space<vmem_shared>> -> memref<128x64xf32, #tpu.memory_space<vmem_shared>>
      %dma_start3A_37 = arith.constant 256 : i32
      %dma_start3A_38 = arith.constant 0 : i32
      %dma_start3A_39 = tpu.memref_slice %arg12[%dma_start3A_37, %dma_start3A_38] : memref<512x64xf32, #tpu.memory_space<vmem_shared>> -> memref<128x64xf32, #tpu.memory_space<vmem_shared>>
      tpu.enqueue_dma source(%arg10 : memref<128x64xf32, #tpu.memory_space<vmem>>) target(%dma_start3A_39 : memref<128x64xf32, #tpu.memory_space<vmem_shared>>) target_semaphore(%run_scoped3A : memref<!tpu.dma_semaphore, #tpu.memory_space<semaphore_mem>>)
      %dma_wait3A = arith.constant 256 : i32
      %dma_wait3A_40 = arith.constant 0 : i32
      %dma_wait3A_41 = tpu.memref_slice %arg12[%dma_wait3A, %dma_wait3A_40] : memref<512x64xf32, #tpu.memory_space<vmem_shared>> -> memref<128x64xf32, #tpu.memory_space<vmem_shared>>
      %dma_wait3A_42 = arith.constant 256 : i32
      %dma_wait3A_43 = arith.constant 0 : i32
      %dma_wait3A_44 = tpu.memref_slice %arg12[%dma_wait3A_42, %dma_wait3A_43] : memref<512x64xf32, #tpu.memory_space<vmem_shared>> -> memref<128x64xf32, #tpu.memory_space<vmem_shared>>
      tpu.wait_dma2 semaphore(%run_scoped3A : memref<!tpu.dma_semaphore, #tpu.memory_space<semaphore_mem>>) src(%arg10 : memref<128x64xf32, #tpu.memory_space<vmem>>) dst(%dma_wait3A_44 : memref<128x64xf32, #tpu.memory_space<vmem_shared>>)
      tpu.yield
    }) : () -> ()
    "tpu.region"() ({
      %run_scoped3A = tpu.sem_alloc : memref<!tpu.dma_semaphore, #tpu.memory_space<semaphore_mem>>
      %dma_start3A_34 = arith.constant 256 : i32
      %dma_start3A_35 = arith.constant 0 : i32
      %dma_start3A_36 = tpu.memref_slice %arg13[%dma_start3A_34, %dma_start3A_35] : memref<512x16xf32, #tpu.memory_space<vmem_shared>> -> memref<128x16xf32, #tpu.memory_space<vmem_shared>>
      %dma_start3A_37 = arith.constant 256 : i32
      %dma_start3A_38 = arith.constant 0 : i32
      %dma_start3A_39 = tpu.memref_slice %arg13[%dma_start3A_37, %dma_start3A_38] : memref<512x16xf32, #tpu.memory_space<vmem_shared>> -> memref<128x16xf32, #tpu.memory_space<vmem_shared>>
      tpu.enqueue_dma source(%arg11 : memref<128x16xf32, #tpu.memory_space<vmem>>) target(%dma_start3A_39 : memref<128x16xf32, #tpu.memory_space<vmem_shared>>) target_semaphore(%run_scoped3A : memref<!tpu.dma_semaphore, #tpu.memory_space<semaphore_mem>>)
      %dma_wait3A = arith.constant 256 : i32
      %dma_wait3A_40 = arith.constant 0 : i32
      %dma_wait3A_41 = tpu.memref_slice %arg13[%dma_wait3A, %dma_wait3A_40] : memref<512x16xf32, #tpu.memory_space<vmem_shared>> -> memref<128x16xf32, #tpu.memory_space<vmem_shared>>
      %dma_wait3A_42 = arith.constant 256 : i32
      %dma_wait3A_43 = arith.constant 0 : i32
      %dma_wait3A_44 = tpu.memref_slice %arg13[%dma_wait3A_42, %dma_wait3A_43] : memref<512x16xf32, #tpu.memory_space<vmem_shared>> -> memref<128x16xf32, #tpu.memory_space<vmem_shared>>
      tpu.wait_dma2 semaphore(%run_scoped3A : memref<!tpu.dma_semaphore, #tpu.memory_space<semaphore_mem>>) src(%arg11 : memref<128x16xf32, #tpu.memory_space<vmem>>) dst(%dma_wait3A_44 : memref<128x16xf32, #tpu.memory_space<vmem_shared>>)
      tpu.yield
    }) : () -> ()
    "tpu.region"() ({
      %run_scoped3A = tpu.sem_alloc : memref<!tpu.dma_semaphore, #tpu.memory_space<semaphore_mem>>
      %dma_start3A_34 = arith.constant 384 : i32
      %dma_start3A_35 = arith.constant 0 : i32
      %dma_start3A_36 = tpu.memref_slice %arg12[%dma_start3A_34, %dma_start3A_35] : memref<512x64xf32, #tpu.memory_space<vmem_shared>> -> memref<128x64xf32, #tpu.memory_space<vmem_shared>>
      %dma_start3A_37 = arith.constant 384 : i32
      %dma_start3A_38 = arith.constant 0 : i32
      %dma_start3A_39 = tpu.memref_slice %arg12[%dma_start3A_37, %dma_start3A_38] : memref<512x64xf32, #tpu.memory_space<vmem_shared>> -> memref<128x64xf32, #tpu.memory_space<vmem_shared>>
      tpu.enqueue_dma source(%arg10 : memref<128x64xf32, #tpu.memory_space<vmem>>) target(%dma_start3A_39 : memref<128x64xf32, #tpu.memory_space<vmem_shared>>) target_semaphore(%run_scoped3A : memref<!tpu.dma_semaphore, #tpu.memory_space<semaphore_mem>>)
      %dma_wait3A = arith.constant 384 : i32
      %dma_wait3A_40 = arith.constant 0 : i32
      %dma_wait3A_41 = tpu.memref_slice %arg12[%dma_wait3A, %dma_wait3A_40] : memref<512x64xf32, #tpu.memory_space<vmem_shared>> -> memref<128x64xf32, #tpu.memory_space<vmem_shared>>
      %dma_wait3A_42 = arith.constant 384 : i32
      %dma_wait3A_43 = arith.constant 0 : i32
      %dma_wait3A_44 = tpu.memref_slice %arg12[%dma_wait3A_42, %dma_wait3A_43] : memref<512x64xf32, #tpu.memory_space<vmem_shared>> -> memref<128x64xf32, #tpu.memory_space<vmem_shared>>
      tpu.wait_dma2 semaphore(%run_scoped3A : memref<!tpu.dma_semaphore, #tpu.memory_space<semaphore_mem>>) src(%arg10 : memref<128x64xf32, #tpu.memory_space<vmem>>) dst(%dma_wait3A_44 : memref<128x64xf32, #tpu.memory_space<vmem_shared>>)
      tpu.yield
    }) : () -> ()
    "tpu.region"() ({
      %run_scoped3A = tpu.sem_alloc : memref<!tpu.dma_semaphore, #tpu.memory_space<semaphore_mem>>
      %dma_start3A_34 = arith.constant 384 : i32
      %dma_start3A_35 = arith.constant 0 : i32
      %dma_start3A_36 = tpu.memref_slice %arg13[%dma_start3A_34, %dma_start3A_35] : memref<512x16xf32, #tpu.memory_space<vmem_shared>> -> memref<128x16xf32, #tpu.memory_space<vmem_shared>>
      %dma_start3A_37 = arith.constant 384 : i32
      %dma_start3A_38 = arith.constant 0 : i32
      %dma_start3A_39 = tpu.memref_slice %arg13[%dma_start3A_37, %dma_start3A_38] : memref<512x16xf32, #tpu.memory_space<vmem_shared>> -> memref<128x16xf32, #tpu.memory_space<vmem_shared>>
      tpu.enqueue_dma source(%arg11 : memref<128x16xf32, #tpu.memory_space<vmem>>) target(%dma_start3A_39 : memref<128x16xf32, #tpu.memory_space<vmem_shared>>) target_semaphore(%run_scoped3A : memref<!tpu.dma_semaphore, #tpu.memory_space<semaphore_mem>>)
      %dma_wait3A = arith.constant 384 : i32
      %dma_wait3A_40 = arith.constant 0 : i32
      %dma_wait3A_41 = tpu.memref_slice %arg13[%dma_wait3A, %dma_wait3A_40] : memref<512x16xf32, #tpu.memory_space<vmem_shared>> -> memref<128x16xf32, #tpu.memory_space<vmem_shared>>
      %dma_wait3A_42 = arith.constant 384 : i32
      %dma_wait3A_43 = arith.constant 0 : i32
      %dma_wait3A_44 = tpu.memref_slice %arg13[%dma_wait3A_42, %dma_wait3A_43] : memref<512x16xf32, #tpu.memory_space<vmem_shared>> -> memref<128x16xf32, #tpu.memory_space<vmem_shared>>
      tpu.wait_dma2 semaphore(%run_scoped3A : memref<!tpu.dma_semaphore, #tpu.memory_space<semaphore_mem>>) src(%arg11 : memref<128x16xf32, #tpu.memory_space<vmem>>) dst(%dma_wait3A_44 : memref<128x16xf32, #tpu.memory_space<vmem_shared>>)
      tpu.yield
    }) : () -> ()
    %add3A_20 = arith.constant 0 : i32
    %add3A_21 = arith.addi %mul3A_2, %add3A_20 : i32
    %dma_start3A = tpu.memref_slice %arg2[%add3A_21, %mul3A_4] : memref<320000x128xf32, #tpu.memory_space<hbm>> -> memref<125x64xf32, #tpu.memory_space<hbm>>
    %dma_start3A_22 = tpu.memref_slice %arg2[%add3A_21, %mul3A_4] : memref<320000x128xf32, #tpu.memory_space<hbm>> -> memref<125x64xf32, #tpu.memory_space<hbm>>
    tpu.enqueue_dma source(%dma_start3A_22 : memref<125x64xf32, #tpu.memory_space<hbm>>) target(%arg7 : memref<125x64xf32, #tpu.memory_space<vmem>>) target_semaphore(%arg14 : memref<!tpu.dma_semaphore, #tpu.memory_space<semaphore_mem>>)
    %add3A_23 = arith.constant 125 : i32
    %add3A_24 = arith.addi %mul3A_2, %add3A_23 : i32
    %dma_start3A_25 = tpu.memref_slice %arg2[%add3A_24, %mul3A_4] : memref<320000x128xf32, #tpu.memory_space<hbm>> -> memref<125x64xf32, #tpu.memory_space<hbm>>
    %dma_start3A_26 = tpu.memref_slice %arg2[%add3A_24, %mul3A_4] : memref<320000x128xf32, #tpu.memory_space<hbm>> -> memref<125x64xf32, #tpu.memory_space<hbm>>
    tpu.enqueue_dma source(%dma_start3A_26 : memref<125x64xf32, #tpu.memory_space<hbm>>) target(%arg8 : memref<125x64xf32, #tpu.memory_space<vmem>>) target_semaphore(%arg15 : memref<!tpu.dma_semaphore, #tpu.memory_space<semaphore_mem>>)
    %scan3A_27 = arith.constant 0 : i32
    %scan3A_28 = arith.constant 0 : i32
    %scan3A_29 = arith.constant 80 : i32
    %scan3A_30 = arith.addi %scan3A_28, %scan3A_29 : i32
    %scan3A_31 = arith.constant 1 : i32
    scf.for %scan3A_34 = %scan3A_28 to %scan3A_30 step %scan3A_31  : i32 {
      %mul3A_35 = arith.constant 2 : i32
      %mul3A_36 = arith.muli %scan3A_34, %mul3A_35 : i32
      %add3A_37 = arith.constant 0 : i32
      %add3A_38 = arith.addi %mul3A_36, %add3A_37 : i32
      %mul3A_39 = arith.constant 125 : i32
      %mul3A_40 = arith.muli %add3A_38, %mul3A_39 : i32
      %add3A_41 = arith.addi %mul3A_2, %mul3A_40 : i32
      %dma_wait3A = tpu.memref_slice %arg2[%add3A_41, %mul3A_4] : memref<320000x128xf32, #tpu.memory_space<hbm>> -> memref<125x64xf32, #tpu.memory_space<hbm>>
      %dma_wait3A_42 = tpu.memref_slice %arg2[%add3A_41, %mul3A_4] : memref<320000x128xf32, #tpu.memory_space<hbm>> -> memref<125x64xf32, #tpu.memory_space<hbm>>
      tpu.wait_dma2 semaphore(%arg14 : memref<!tpu.dma_semaphore, #tpu.memory_space<semaphore_mem>>) src(%dma_wait3A_42 : memref<125x64xf32, #tpu.memory_space<hbm>>) dst(%arg7 : memref<125x64xf32, #tpu.memory_space<vmem>>)
      "tpu.region"() ({
        %run_scoped3A = tpu.sem_alloc : memref<!tpu.dma_semaphore, #tpu.memory_space<semaphore_mem>>
        %dma_start3A_71 = arith.constant 0 : i32
        %dma_start3A_72 = tpu.memref_slice %arg6[%add3A_38, %dma_start3A_71] : memref<160x125xi32, #tpu.memory_space<vmem>> -> memref<1x125xi32, #tpu.memory_space<vmem>>
        %dma_start3A_73 = tpu.memref_squeeze %dma_start3A_72 : memref<1x125xi32, #tpu.memory_space<vmem>> -> memref<125xi32, #tpu.memory_space<vmem>>
        %dma_start3A_74 = arith.constant 0 : i32
        %dma_start3A_75 = arith.constant 0 : i32
        %dma_start3A_76 = tpu.memref_slice %arg12[%dma_start3A_74, %dma_start3A_75] : memref<512x64xf32, #tpu.memory_space<vmem_shared>> -> memref<512x64xf32, #tpu.memory_space<vmem_shared>>
        tpu.enqueue_indirect_dma source(%arg7 : memref<125x64xf32, #tpu.memory_space<vmem>>) target(%dma_start3A_76 : memref<512x64xf32, #tpu.memory_space<vmem_shared>>) offsets(%dma_start3A_73 : memref<125xi32, #tpu.memory_space<vmem>>) semaphore(%run_scoped3A : memref<!tpu.dma_semaphore, #tpu.memory_space<semaphore_mem>>) {add = true}
        %dma_wait3A_77 = arith.constant 0 : i32
        %dma_wait3A_78 = tpu.memref_slice %arg6[%add3A_38, %dma_wait3A_77] : memref<160x125xi32, #tpu.memory_space<vmem>> -> memref<1x125xi32, #tpu.memory_space<vmem>>
        %dma_wait3A_79 = tpu.memref_squeeze %dma_wait3A_78 : memref<1x125xi32, #tpu.memory_space<vmem>> -> memref<125xi32, #tpu.memory_space<vmem>>
        %dma_wait3A_80 = arith.constant 0 : i32
        %dma_wait3A_81 = arith.constant 0 : i32
        %dma_wait3A_82 = tpu.memref_slice %arg12[%dma_wait3A_80, %dma_wait3A_81] : memref<512x64xf32, #tpu.memory_space<vmem_shared>> -> memref<512x64xf32, #tpu.memory_space<vmem_shared>>
        tpu.wait_indirect_dma semaphore(%run_scoped3A : memref<!tpu.dma_semaphore, #tpu.memory_space<semaphore_mem>>) src(%arg7 : memref<125x64xf32, #tpu.memory_space<vmem>>) dst(%dma_wait3A_82 : memref<512x64xf32, #tpu.memory_space<vmem_shared>>)
        tpu.yield
      }) : () -> ()
      %convert_element_type3A_43 = arith.extui %eq3A_5 : i1 to i32
      %cond3A_44 = arith.constant 0 : i32
      %cond3A_45 = arith.cmpi ne, %convert_element_type3A_43, %cond3A_44 : i32
      scf.if %cond3A_45 {
        "tpu.region"() ({
          %run_scoped3A = tpu.sem_alloc : memref<!tpu.dma_semaphore, #tpu.memory_space<semaphore_mem>>
          %dma_start3A_71 = arith.constant 0 : i32
          %dma_start3A_72 = tpu.memref_slice %arg6[%add3A_38, %dma_start3A_71] : memref<160x125xi32, #tpu.memory_space<vmem>> -> memref<1x125xi32, #tpu.memory_space<vmem>>
          %dma_start3A_73 = tpu.memref_squeeze %dma_start3A_72 : memref<1x125xi32, #tpu.memory_space<vmem>> -> memref<125xi32, #tpu.memory_space<vmem>>
          %dma_start3A_74 = arith.constant 0 : i32
          %dma_start3A_75 = arith.constant 0 : i32
          %dma_start3A_76 = tpu.memref_slice %arg13[%dma_start3A_74, %dma_start3A_75] : memref<512x16xf32, #tpu.memory_space<vmem_shared>> -> memref<512x16xf32, #tpu.memory_space<vmem_shared>>
          tpu.enqueue_indirect_dma source(%arg9 : memref<125x16xf32, #tpu.memory_space<vmem>>) target(%dma_start3A_76 : memref<512x16xf32, #tpu.memory_space<vmem_shared>>) offsets(%dma_start3A_73 : memref<125xi32, #tpu.memory_space<vmem>>) semaphore(%run_scoped3A : memref<!tpu.dma_semaphore, #tpu.memory_space<semaphore_mem>>) {add = true}
          %dma_wait3A_77 = arith.constant 0 : i32
          %dma_wait3A_78 = tpu.memref_slice %arg6[%add3A_38, %dma_wait3A_77] : memref<160x125xi32, #tpu.memory_space<vmem>> -> memref<1x125xi32, #tpu.memory_space<vmem>>
          %dma_wait3A_79 = tpu.memref_squeeze %dma_wait3A_78 : memref<1x125xi32, #tpu.memory_space<vmem>> -> memref<125xi32, #tpu.memory_space<vmem>>
          %dma_wait3A_80 = arith.constant 0 : i32
          %dma_wait3A_81 = arith.constant 0 : i32
          %dma_wait3A_82 = tpu.memref_slice %arg13[%dma_wait3A_80, %dma_wait3A_81] : memref<512x16xf32, #tpu.memory_space<vmem_shared>> -> memref<512x16xf32, #tpu.memory_space<vmem_shared>>
          tpu.wait_indirect_dma semaphore(%run_scoped3A : memref<!tpu.dma_semaphore, #tpu.memory_space<semaphore_mem>>) src(%arg9 : memref<125x16xf32, #tpu.memory_space<vmem>>) dst(%dma_wait3A_82 : memref<512x16xf32, #tpu.memory_space<vmem_shared>>)
          tpu.yield
        }) : () -> ()
      } else {
      }
      %add3A_46 = arith.constant 2 : i32
      %add3A_47 = arith.addi %add3A_38, %add3A_46 : i32
      %lt3A = arith.constant 160 : i32
      %lt3A_48 = arith.cmpi slt, %add3A_47, %lt3A : i32
      %convert_element_type3A_49 = arith.extui %lt3A_48 : i1 to i32
      %cond3A_50 = arith.constant 0 : i32
      %cond3A_51 = arith.cmpi ne, %convert_element_type3A_49, %cond3A_50 : i32
      scf.if %cond3A_51 {
        %add3A_71 = arith.constant 2 : i32
        %add3A_72 = arith.addi %add3A_38, %add3A_71 : i32
        %mul3A_73 = arith.constant 125 : i32
        %mul3A_74 = arith.muli %add3A_72, %mul3A_73 : i32
        %add3A_75 = arith.addi %mul3A_2, %mul3A_74 : i32
        %dma_start3A_76 = tpu.memref_slice %arg2[%add3A_75, %mul3A_4] : memref<320000x128xf32, #tpu.memory_space<hbm>> -> memref<125x64xf32, #tpu.memory_space<hbm>>
        %dma_start3A_77 = tpu.memref_slice %arg2[%add3A_75, %mul3A_4] : memref<320000x128xf32, #tpu.memory_space<hbm>> -> memref<125x64xf32, #tpu.memory_space<hbm>>
        tpu.enqueue_dma source(%dma_start3A_77 : memref<125x64xf32, #tpu.memory_space<hbm>>) target(%arg7 : memref<125x64xf32, #tpu.memory_space<vmem>>) target_semaphore(%arg14 : memref<!tpu.dma_semaphore, #tpu.memory_space<semaphore_mem>>)
      } else {
      }
      %mul3A_52 = arith.constant 2 : i32
      %mul3A_53 = arith.muli %scan3A_34, %mul3A_52 : i32
      %add3A_54 = arith.constant 1 : i32
      %add3A_55 = arith.addi %mul3A_53, %add3A_54 : i32
      %mul3A_56 = arith.constant 125 : i32
      %mul3A_57 = arith.muli %add3A_55, %mul3A_56 : i32
      %add3A_58 = arith.addi %mul3A_2, %mul3A_57 : i32
      %dma_wait3A_59 = tpu.memref_slice %arg2[%add3A_58, %mul3A_4] : memref<320000x128xf32, #tpu.memory_space<hbm>> -> memref<125x64xf32, #tpu.memory_space<hbm>>
      %dma_wait3A_60 = tpu.memref_slice %arg2[%add3A_58, %mul3A_4] : memref<320000x128xf32, #tpu.memory_space<hbm>> -> memref<125x64xf32, #tpu.memory_space<hbm>>
      tpu.wait_dma2 semaphore(%arg15 : memref<!tpu.dma_semaphore, #tpu.memory_space<semaphore_mem>>) src(%dma_wait3A_60 : memref<125x64xf32, #tpu.memory_space<hbm>>) dst(%arg8 : memref<125x64xf32, #tpu.memory_space<vmem>>)
      "tpu.region"() ({
        %run_scoped3A = tpu.sem_alloc : memref<!tpu.dma_semaphore, #tpu.memory_space<semaphore_mem>>
        %dma_start3A_71 = arith.constant 0 : i32
        %dma_start3A_72 = tpu.memref_slice %arg6[%add3A_55, %dma_start3A_71] : memref<160x125xi32, #tpu.memory_space<vmem>> -> memref<1x125xi32, #tpu.memory_space<vmem>>
        %dma_start3A_73 = tpu.memref_squeeze %dma_start3A_72 : memref<1x125xi32, #tpu.memory_space<vmem>> -> memref<125xi32, #tpu.memory_space<vmem>>
        %dma_start3A_74 = arith.constant 0 : i32
        %dma_start3A_75 = arith.constant 0 : i32
        %dma_start3A_76 = tpu.memref_slice %arg12[%dma_start3A_74, %dma_start3A_75] : memref<512x64xf32, #tpu.memory_space<vmem_shared>> -> memref<512x64xf32, #tpu.memory_space<vmem_shared>>
        tpu.enqueue_indirect_dma source(%arg8 : memref<125x64xf32, #tpu.memory_space<vmem>>) target(%dma_start3A_76 : memref<512x64xf32, #tpu.memory_space<vmem_shared>>) offsets(%dma_start3A_73 : memref<125xi32, #tpu.memory_space<vmem>>) semaphore(%run_scoped3A : memref<!tpu.dma_semaphore, #tpu.memory_space<semaphore_mem>>) {add = true}
        %dma_wait3A_77 = arith.constant 0 : i32
        %dma_wait3A_78 = tpu.memref_slice %arg6[%add3A_55, %dma_wait3A_77] : memref<160x125xi32, #tpu.memory_space<vmem>> -> memref<1x125xi32, #tpu.memory_space<vmem>>
        %dma_wait3A_79 = tpu.memref_squeeze %dma_wait3A_78 : memref<1x125xi32, #tpu.memory_space<vmem>> -> memref<125xi32, #tpu.memory_space<vmem>>
        %dma_wait3A_80 = arith.constant 0 : i32
        %dma_wait3A_81 = arith.constant 0 : i32
        %dma_wait3A_82 = tpu.memref_slice %arg12[%dma_wait3A_80, %dma_wait3A_81] : memref<512x64xf32, #tpu.memory_space<vmem_shared>> -> memref<512x64xf32, #tpu.memory_space<vmem_shared>>
        tpu.wait_indirect_dma semaphore(%run_scoped3A : memref<!tpu.dma_semaphore, #tpu.memory_space<semaphore_mem>>) src(%arg8 : memref<125x64xf32, #tpu.memory_space<vmem>>) dst(%dma_wait3A_82 : memref<512x64xf32, #tpu.memory_space<vmem_shared>>)
        tpu.yield
      }) : () -> ()
      %convert_element_type3A_61 = arith.extui %eq3A_5 : i1 to i32
      %cond3A_62 = arith.constant 0 : i32
      %cond3A_63 = arith.cmpi ne, %convert_element_type3A_61, %cond3A_62 : i32
      scf.if %cond3A_63 {
        "tpu.region"() ({
          %run_scoped3A = tpu.sem_alloc : memref<!tpu.dma_semaphore, #tpu.memory_space<semaphore_mem>>
          %dma_start3A_71 = arith.constant 0 : i32
          %dma_start3A_72 = tpu.memref_slice %arg6[%add3A_55, %dma_start3A_71] : memref<160x125xi32, #tpu.memory_space<vmem>> -> memref<1x125xi32, #tpu.memory_space<vmem>>
          %dma_start3A_73 = tpu.memref_squeeze %dma_start3A_72 : memref<1x125xi32, #tpu.memory_space<vmem>> -> memref<125xi32, #tpu.memory_space<vmem>>
          %dma_start3A_74 = arith.constant 0 : i32
          %dma_start3A_75 = arith.constant 0 : i32
          %dma_start3A_76 = tpu.memref_slice %arg13[%dma_start3A_74, %dma_start3A_75] : memref<512x16xf32, #tpu.memory_space<vmem_shared>> -> memref<512x16xf32, #tpu.memory_space<vmem_shared>>
          tpu.enqueue_indirect_dma source(%arg9 : memref<125x16xf32, #tpu.memory_space<vmem>>) target(%dma_start3A_76 : memref<512x16xf32, #tpu.memory_space<vmem_shared>>) offsets(%dma_start3A_73 : memref<125xi32, #tpu.memory_space<vmem>>) semaphore(%run_scoped3A : memref<!tpu.dma_semaphore, #tpu.memory_space<semaphore_mem>>) {add = true}
          %dma_wait3A_77 = arith.constant 0 : i32
          %dma_wait3A_78 = tpu.memref_slice %arg6[%add3A_55, %dma_wait3A_77] : memref<160x125xi32, #tpu.memory_space<vmem>> -> memref<1x125xi32, #tpu.memory_space<vmem>>
          %dma_wait3A_79 = tpu.memref_squeeze %dma_wait3A_78 : memref<1x125xi32, #tpu.memory_space<vmem>> -> memref<125xi32, #tpu.memory_space<vmem>>
          %dma_wait3A_80 = arith.constant 0 : i32
          %dma_wait3A_81 = arith.constant 0 : i32
          %dma_wait3A_82 = tpu.memref_slice %arg13[%dma_wait3A_80, %dma_wait3A_81] : memref<512x16xf32, #tpu.memory_space<vmem_shared>> -> memref<512x16xf32, #tpu.memory_space<vmem_shared>>
          tpu.wait_indirect_dma semaphore(%run_scoped3A : memref<!tpu.dma_semaphore, #tpu.memory_space<semaphore_mem>>) src(%arg9 : memref<125x16xf32, #tpu.memory_space<vmem>>) dst(%dma_wait3A_82 : memref<512x16xf32, #tpu.memory_space<vmem_shared>>)
          tpu.yield
        }) : () -> ()
      } else {
      }
      %add3A_64 = arith.constant 2 : i32
      %add3A_65 = arith.addi %add3A_55, %add3A_64 : i32
      %lt3A_66 = arith.constant 160 : i32
      %lt3A_67 = arith.cmpi slt, %add3A_65, %lt3A_66 : i32
      %convert_element_type3A_68 = arith.extui %lt3A_67 : i1 to i32
      %cond3A_69 = arith.constant 0 : i32
      %cond3A_70 = arith.cmpi ne, %convert_element_type3A_68, %cond3A_69 : i32
      scf.if %cond3A_70 {
        %add3A_71 = arith.constant 2 : i32
        %add3A_72 = arith.addi %add3A_55, %add3A_71 : i32
        %mul3A_73 = arith.constant 125 : i32
        %mul3A_74 = arith.muli %add3A_72, %mul3A_73 : i32
        %add3A_75 = arith.addi %mul3A_2, %mul3A_74 : i32
        %dma_start3A_76 = tpu.memref_slice %arg2[%add3A_75, %mul3A_4] : memref<320000x128xf32, #tpu.memory_space<hbm>> -> memref<125x64xf32, #tpu.memory_space<hbm>>
        %dma_start3A_77 = tpu.memref_slice %arg2[%add3A_75, %mul3A_4] : memref<320000x128xf32, #tpu.memory_space<hbm>> -> memref<125x64xf32, #tpu.memory_space<hbm>>
        tpu.enqueue_dma source(%dma_start3A_77 : memref<125x64xf32, #tpu.memory_space<hbm>>) target(%arg8 : memref<125x64xf32, #tpu.memory_space<vmem>>) target_semaphore(%arg15 : memref<!tpu.dma_semaphore, #tpu.memory_space<semaphore_mem>>)
      } else {
      }
    }
    %scan3A_32 = arith.constant 80 : i32
    "tpu.region"() ({
      %run_scoped3A = tpu.sem_alloc : memref<!tpu.dma_semaphore, #tpu.memory_space<semaphore_mem>>
      %dma_start3A_34 = arith.constant 0 : i32
      %dma_start3A_35 = arith.constant 0 : i32
      %dma_start3A_36 = tpu.memref_slice %arg4[%add3A, %dma_start3A_34, %dma_start3A_35] : memref<32x512x64xf32, #tpu.memory_space<hbm>> -> memref<1x512x64xf32, #tpu.memory_space<hbm>>
      %dma_start3A_37 = tpu.memref_squeeze %dma_start3A_36 : memref<1x512x64xf32, #tpu.memory_space<hbm>> -> memref<512x64xf32, #tpu.memory_space<hbm>>
      tpu.enqueue_dma source(%arg12 : memref<512x64xf32, #tpu.memory_space<vmem_shared>>) target(%dma_start3A_37 : memref<512x64xf32, #tpu.memory_space<hbm>>) target_semaphore(%run_scoped3A : memref<!tpu.dma_semaphore, #tpu.memory_space<semaphore_mem>>)
      %dma_wait3A = arith.constant 0 : i32
      %dma_wait3A_38 = arith.constant 0 : i32
      %dma_wait3A_39 = tpu.memref_slice %arg4[%add3A, %dma_wait3A, %dma_wait3A_38] : memref<32x512x64xf32, #tpu.memory_space<hbm>> -> memref<1x512x64xf32, #tpu.memory_space<hbm>>
      %dma_wait3A_40 = tpu.memref_squeeze %dma_wait3A_39 : memref<1x512x64xf32, #tpu.memory_space<hbm>> -> memref<512x64xf32, #tpu.memory_space<hbm>>
      tpu.wait_dma2 semaphore(%run_scoped3A : memref<!tpu.dma_semaphore, #tpu.memory_space<semaphore_mem>>) src(%arg12 : memref<512x64xf32, #tpu.memory_space<vmem_shared>>) dst(%dma_wait3A_40 : memref<512x64xf32, #tpu.memory_space<hbm>>)
      tpu.yield
    }) : () -> ()
    %convert_element_type3A = arith.extui %eq3A_5 : i1 to i32
    %cond3A = arith.constant 0 : i32
    %cond3A_33 = arith.cmpi ne, %convert_element_type3A, %cond3A : i32
    scf.if %cond3A_33 {
      "tpu.region"() ({
        %run_scoped3A = tpu.sem_alloc : memref<!tpu.dma_semaphore, #tpu.memory_space<semaphore_mem>>
        %dma_start3A_34 = arith.constant 0 : i32
        %dma_start3A_35 = arith.constant 0 : i32
        %dma_start3A_36 = tpu.memref_slice %arg5[%arg1, %dma_start3A_34, %dma_start3A_35] : memref<16x512x16xf32, #tpu.memory_space<hbm>> -> memref<1x512x16xf32, #tpu.memory_space<hbm>>
        %dma_start3A_37 = tpu.memref_squeeze %dma_start3A_36 : memref<1x512x16xf32, #tpu.memory_space<hbm>> -> memref<512x16xf32, #tpu.memory_space<hbm>>
        tpu.enqueue_dma source(%arg13 : memref<512x16xf32, #tpu.memory_space<vmem_shared>>) target(%dma_start3A_37 : memref<512x16xf32, #tpu.memory_space<hbm>>) target_semaphore(%run_scoped3A : memref<!tpu.dma_semaphore, #tpu.memory_space<semaphore_mem>>)
        %dma_wait3A = arith.constant 0 : i32
        %dma_wait3A_38 = arith.constant 0 : i32
        %dma_wait3A_39 = tpu.memref_slice %arg5[%arg1, %dma_wait3A, %dma_wait3A_38] : memref<16x512x16xf32, #tpu.memory_space<hbm>> -> memref<1x512x16xf32, #tpu.memory_space<hbm>>
        %dma_wait3A_40 = tpu.memref_squeeze %dma_wait3A_39 : memref<1x512x16xf32, #tpu.memory_space<hbm>> -> memref<512x16xf32, #tpu.memory_space<hbm>>
        tpu.wait_dma2 semaphore(%run_scoped3A : memref<!tpu.dma_semaphore, #tpu.memory_space<semaphore_mem>>) src(%arg13 : memref<512x16xf32, #tpu.memory_space<vmem_shared>>) dst(%dma_wait3A_40 : memref<512x16xf32, #tpu.memory_space<hbm>>)
        tpu.yield
      }) : () -> ()
    } else {
    }
    return
  }
}

module attributes {stable_mosaic.version = 14 : i64} {
  func.func @_tc_body(%arg0: memref<2x16x512x64xf32, #tpu.memory_space<vmem>>, %arg1: memref<16x512x16xf32, #tpu.memory_space<vmem>>, %arg2: memref<128x128xf32, #tpu.memory_space<vmem>>, %arg3: memref<1x128xf32, #tpu.memory_space<vmem>>, %arg4: memref<128x1xf32, #tpu.memory_space<vmem>>, %arg5: memref<1x1xf32, #tpu.memory_space<vmem>>, %arg6: memref<512x1xf32, #tpu.memory_space<vmem>>) attributes {dimension_semantics = [], scalar_prefetch = 0 : i64, scratch_operands = 0 : i64, tpu.core_type = #tpu.core_type<tc>} {
    %get3A = arith.constant 0 : index
    %get3A_0 = arith.constant 0 : index
    %get3A_1 = arith.constant 0 : index
    %get3A_2 = arith.constant 0 : index
    %get3A_3 = vector.load %arg0[%get3A, %get3A_0, %get3A_1, %get3A_2] : memref<2x16x512x64xf32, #tpu.memory_space<vmem>>, vector<1x16x512x64xf32>
    %get3A_4 = vector.shape_cast %get3A_3 : vector<1x16x512x64xf32> to vector<16x512x64xf32>
    %reduce_sum3A = arith.constant dense<0.000000e+00> : vector<512x64xf32>
    %reduce_sum3A_5 = vector.multi_reduction <add>, %get3A_4, %reduce_sum3A [0] : vector<16x512x64xf32> to vector<512x64xf32>
    %get3A_6 = arith.constant 1 : index
    %get3A_7 = arith.constant 0 : index
    %get3A_8 = arith.constant 0 : index
    %get3A_9 = arith.constant 0 : index
    %get3A_10 = vector.load %arg0[%get3A_6, %get3A_7, %get3A_8, %get3A_9] : memref<2x16x512x64xf32, #tpu.memory_space<vmem>>, vector<1x16x512x64xf32>
    %get3A_11 = vector.shape_cast %get3A_10 : vector<1x16x512x64xf32> to vector<16x512x64xf32>
    %reduce_sum3A_12 = arith.constant dense<0.000000e+00> : vector<512x64xf32>
    %reduce_sum3A_13 = vector.multi_reduction <add>, %get3A_11, %reduce_sum3A_12 [0] : vector<16x512x64xf32> to vector<512x64xf32>
    %concatenate3A = tpu.concatenate %reduce_sum3A_5, %reduce_sum3A_13 in 1 : vector<512x64xf32>, vector<512x64xf32> -> vector<512x128xf32>
    %get3A_14 = arith.constant 0 : index
    %get3A_15 = arith.constant 0 : index
    %get3A_16 = arith.constant 0 : index
    %get3A_17 = vector.load %arg1[%get3A_14, %get3A_15, %get3A_16] : memref<16x512x16xf32, #tpu.memory_space<vmem>>, vector<16x512x16xf32>
    %reduce_sum3A_18 = arith.constant dense<0.000000e+00> : vector<512x16xf32>
    %reduce_sum3A_19 = vector.multi_reduction <add>, %get3A_17, %reduce_sum3A_18 [0] : vector<16x512x16xf32> to vector<512x16xf32>
    %slice3A = vector.extract_strided_slice %reduce_sum3A_19 {offsets = [0, 0], sizes = [512, 1], strides = [1, 1]} : vector<512x16xf32> to vector<512x1xf32>
    %max3A = arith.constant 1.000000e+00 : f32
    %max3A_20 = vector.broadcast %max3A : f32 to vector<512x1xf32>
    %max3A_21 = arith.maximumf %slice3A, %max3A_20 : vector<512x1xf32>
    %div3A = vector.broadcast %max3A_21 : vector<512x1xf32> to vector<512x128xf32>
    %div3A_22 = arith.divf %concatenate3A, %div3A : vector<512x128xf32>
    %get3A_23 = arith.constant 0 : index
    %get3A_24 = arith.constant 0 : index
    %get3A_25 = vector.load %arg2[%get3A_23, %get3A_24] : memref<128x128xf32, #tpu.memory_space<vmem>>, vector<128x128xf32>
    %dot_general3A = arith.constant dense<0.000000e+00> : vector<512x128xf32>
    %dot_general3A_26 = tpu.matmul %div3A_22, %get3A_25, %dot_general3A {dimension_numbers = #tpu.dot_dimension_numbers<[1], [0], [0], [1], [0, 0, 1, 1], [], []>, transpose_lhs_hint = false} : vector<512x128xf32>, vector<128x128xf32>, vector<512x128xf32> -> vector<512x128xf32>
    %get3A_27 = arith.constant 0 : index
    %get3A_28 = arith.constant 0 : index
    %get3A_29 = vector.load %arg3[%get3A_27, %get3A_28] : memref<1x128xf32, #tpu.memory_space<vmem>>, vector<1x128xf32>
    %add3A = vector.broadcast %get3A_29 : vector<1x128xf32> to vector<512x128xf32>
    %add3A_30 = arith.addf %dot_general3A_26, %add3A : vector<512x128xf32>
    %max3A_31 = arith.constant 0.000000e+00 : f32
    %max3A_32 = vector.broadcast %max3A_31 : f32 to vector<512x128xf32>
    %max3A_33 = arith.maximumf %add3A_30, %max3A_32 : vector<512x128xf32>
    %get3A_34 = arith.constant 0 : index
    %get3A_35 = arith.constant 0 : index
    %get3A_36 = vector.load %arg4[%get3A_34, %get3A_35] : memref<128x1xf32, #tpu.memory_space<vmem>>, vector<128x1xf32>
    %dot_general3A_37 = arith.constant dense<0.000000e+00> : vector<512x1xf32>
    %dot_general3A_38 = tpu.matmul %max3A_33, %get3A_36, %dot_general3A_37 {dimension_numbers = #tpu.dot_dimension_numbers<[1], [0], [0], [1], [0, 0, 1, 1], [], []>, transpose_lhs_hint = false} : vector<512x128xf32>, vector<128x1xf32>, vector<512x1xf32> -> vector<512x1xf32>
    %get3A_39 = arith.constant 0 : index
    %get3A_40 = arith.constant 0 : index
    %get3A_41 = vector.load %arg5[%get3A_39, %get3A_40] : memref<1x1xf32, #tpu.memory_space<vmem>>, vector<1x1xf32>
    %add3A_42 = vector.broadcast %get3A_41 : vector<1x1xf32> to vector<512x1xf32>
    %add3A_43 = arith.addf %dot_general3A_38, %add3A_42 : vector<512x1xf32>
    %neg3A = arith.constant 0.000000e+00 : f32
    %neg3A_44 = vector.broadcast %neg3A : f32 to vector<512x1xf32>
    %neg3A_45 = arith.subf %neg3A_44, %add3A_43 : vector<512x1xf32>
    %exp3A = math.exp %neg3A_45 : vector<512x1xf32>
    %add3A_46 = arith.constant 1.000000e+00 : f32
    %add3A_47 = vector.broadcast %add3A_46 : f32 to vector<512x1xf32>
    %add3A_48 = arith.addf %add3A_47, %exp3A : vector<512x1xf32>
    %div3A_49 = arith.constant 1.000000e+00 : f32
    %div3A_50 = vector.broadcast %div3A_49 : f32 to vector<512x1xf32>
    %div3A_51 = arith.divf %div3A_50, %add3A_48 : vector<512x1xf32>
    %swap3A = arith.constant 0 : index
    %swap3A_52 = arith.constant 0 : index
    %swap3A_53 = vector.load %arg6[%swap3A, %swap3A_52] : memref<512x1xf32, #tpu.memory_space<vmem>>, vector<512x1xf32>
    tpu.vector_store %arg6[%swap3A, %swap3A_52], %div3A_51 {strides = array<i32>} : memref<512x1xf32, #tpu.memory_space<vmem>>, vector<512x1xf32>,
    return
  }
}

</mosaic_0001>

<sc_bundles>
// kernel: kernel.4.cloned.1.call-start
scs
__scs_entry_jumppad:
0x0: {  	(pc) =	sbr.rel $0x88, $3  }
0x1: {  	(tag) =	ssettag $0x0;
	lr =	simm.s32 $0x1  }
0x2: {  	[smem:$0x3F9B] =	sst lr;
	_ =	strace $0xD0000000  }
0x3: {  	_ = 	snop  }
0x4: {  	_ = 	snop  }
0x5: {  	_ = 	snop  }
0x6: {  	_ = 	snop  }
0x7: {  	_ = 	snop  }
__scs_overlays_trampoline_lowered:
0x8: {  	[smem:$0x3FAA] =	sst s0  }
0x9: {  	[smem:$0x3FAB] =	sst s1  }
0xa: {  	[smem:$0x3FAC] =	sst s2  }
0xb: {  	[smem:$0x3FAD] =	sst s3  }
0xc: {  	[smem:$0x3FAE] =	sst s4  }
0xd: {  	[smem:$0x3FAF] =	sst s5  }
0xe: {  	[smem:$0x3FB0] =	sst s6  }
0xf: {  	[smem:$0x3FB1] =	sst s7  }
0x10: {  	[smem:$0x3FB2] =	sst s8  }
0x11: {  	[smem:$0x3FB3] =	sst s9;
	s0 =	simm.s32 @!p0 $0x0  }
0x12: {  	s1 =	sld [smem:$0x3F99];
	s0 =	simm.s32 @p0 $0x1  }
0x13: {  	[smem:$0x3FB4] =	sst s0;
	s0 =	simm.s32 @!p1 $0x0  }
0x14: {  	s2 =	sld [smem:$0x3F98];
	s0 =	simm.s32 @p1 $0x1  }
0x15: {  	[smem:$0x3FB5] =	sst s0;
	s0 =	simm.s32 @!p2 $0x0  }
0x16: {  	s3 =	sld [smem:$0x3FDB];
	s0 =	simm.s32 @p2 $0x1  }
0x17: {  	s4 =	simm.s32 $0x1BF5;
	[smem:$0x3FB7] =	sst s0  }
0x18: {  	s0 =	sld [smem:$0x3F9A];
	_ =	swait.ge [sflag:s4], $0x0  }
0x19: {  	s7 =	sld [smem:$0x3F9B]  }
0x1a: {  	s8 =	sadd.s32 $0xFFFFE003, lr  }
0x1b: {  	s9 =	sadd.s32 $0xFFFFFEF7, lr;
	s5 =	simm.s32 $0xFFFFFFFF;
	p2 =	slt.u32 s8, $0xFFFFF086  }
0x1c: {  	p1 =	slt.u32 s9, $0xF7A;
	s5 =	simm.s32 @!p2 $0x0  }
0x1d: {  	s5 =	simm.s32 @p1 $0x1;
	p0 =	seq.s32 s7, s2  }
0x1e: {  	s7 =	smul.u32 @!p0 $0xF7A, s2;
	p2 =	seq.s32 @!p0 s5, $0x0  }
0x1f: {  	s9 =	smul.u32 $0xF7A, s1;
	s8 =	simm.s32 @!p0 $0x1BF5;
	p2 =	por !p2, p0  }
0x20: {  	[sflag:s8] =	ssyncset.s32 @!p0 $0xFFFFF086;
	s6 =	sadd.s32 @!p0 s3, s7;
	s7 =	simm.s32 @!p0 $0x108  }
0x21: {  	s3 =	sadd.s32 s3, s9;
	s6 =	sadd.s32 @!p0 $0x88, s6;
	s7 =	simm.s32 @p2 $0x1082  }
0x22: {  	[simem:s7], [sflag:s8] =	dma.local @!p0 [hbm:s6], $0xF7A  }
0x23: {  	s9 =	sor.u32 $0xD0000000, s2;
	s6 =	simm.s32 $0x108;
	_ =	swait.ge @!p0 [sflag:s8], $0x0  }
0x24: {  	s3 =	sadd.s32 $0x88, s3;
	s6 =	simm.s32 @!p1 $0x1082;
	[sflag:s4] =	ssyncset.s32 $0xFFFFF086  }
0x25: {  	[simem:s6], [sflag:s4] =	dma.local [hbm:s3], $0xF7A  }
0x26: {  	[smem:$0x3F9B] =	sst s1;
	(tag) =	ssettag s2;
	_ =	strace s9  }
0x27: {  	s1 =	sld [smem:$0x3FAB]  }
0x28: {  	s2 =	sld [smem:$0x3FAC]  }
0x29: {  	s4 =	sld [smem:$0x3FAE]  }
0x2a: {  	p0 =	seq.s32 s5, $0x0;
	s5 =	sld [smem:$0x3FAF]  }
0x2b: {  	s6 =	sld [smem:$0x3FB0]  }
0x2c: {  	s7 =	sld [smem:$0x3FB1]  }
0x2d: {  	s3 =	simm.s32 $0x108;
	s8 =	sld [smem:$0x3FB2]  }
0x2e: {  	s3 =	simm.s32 @!p0 $0x1082;
	s9 =	sld [smem:$0x3FB3]  }
0x2f: {  	lr =	sadd.s32 s0, s3;
	s0 =	sld [smem:$0x3FAA]  }
0x30: {  	s3 =	sld [smem:$0x3FAD]  }
0x31: {  	[smem:$0x3FB6] =	sst s10  }
0x32: {  	s10 =	sld [smem:$0x3FB4];
	_ =	sdelay $0x3  }
0x33: {  	p0 =	seq.s32 s10, $0x1;
	s10 =	sld [smem:$0x3FB6];
	_ =	sdelay $0x3  }
0x34: {  	[smem:$0x3FB6] =	sst s10  }
0x35: {  	s10 =	sld [smem:$0x3FB5];
	_ =	sdelay $0x3  }
0x36: {  	p1 =	seq.s32 s10, $0x1;
	s10 =	sld [smem:$0x3FB6];
	_ =	sdelay $0x3  }
0x37: {  	[smem:$0x3FB6] =	sst s10  }
0x38: {  	s10 =	sld [smem:$0x3FB7]  }
0x39: {  	_ = 	snop;
	(pc) =	sbr.ind lr, $3  }
0x3a: {  	_ = 	snop  }
0x3b: {  	_ = 	snop  }
0x3c: {  	p2 =	seq.s32 s10, $0x1;
	s10 =	sld [smem:$0x3FB6]  }
0x3d: {  	_ =	shalt  }
0x3e: {  	_ =	shalt  }
0x3f: {  	_ =	shalt  }
0x40: {  	_ =	shalt  }
0x41: {  	_ =	shalt  }
0x42: {  	_ =	shalt  }
0x43: {  	_ =	shalt  }
0x44: {  	_ =	shalt  }
0x45: {  	_ =	shalt  }
0x46: {  	_ =	shalt  }
0x47: {  	_ =	shalt  }
0x48: {  	_ =	shalt  }
0x49: {  	_ =	shalt  }
0x4a: {  	_ =	shalt  }
0x4b: {  	_ =	shalt  }
0x4c: {  	_ =	shalt  }
0x4d: {  	_ =	shalt  }
0x4e: {  	_ =	shalt  }
0x4f: {  	_ =	shalt  }
0x50: {  	_ =	shalt  }
0x51: {  	_ =	shalt  }
0x52: {  	_ =	shalt  }
0x53: {  	_ =	shalt  }
0x54: {  	_ =	shalt  }
0x55: {  	_ =	shalt  }
0x56: {  	_ =	shalt  }
0x57: {  	_ =	shalt  }
0x58: {  	_ =	shalt  }
0x59: {  	_ =	shalt  }
0x5a: {  	_ =	shalt  }
0x5b: {  	_ =	shalt  }
0x5c: {  	_ =	shalt  }
0x5d: {  	_ =	shalt  }
0x5e: {  	_ =	shalt  }
0x5f: {  	_ =	shalt  }
0x60: {  	_ =	shalt  }
0x61: {  	_ =	shalt  }
0x62: {  	_ =	shalt  }
0x63: {  	_ =	shalt  }
0x64: {  	_ =	shalt  }
0x65: {  	_ =	shalt  }
0x66: {  	_ =	shalt  }
0x67: {  	_ =	shalt  }
0x68: {  	_ =	shalt  }
0x69: {  	_ =	shalt  }
0x6a: {  	_ =	shalt  }
0x6b: {  	_ =	shalt  }
0x6c: {  	_ =	shalt  }
0x6d: {  	_ =	shalt  }
0x6e: {  	_ =	shalt  }
0x6f: {  	_ =	shalt  }
0x70: {  	_ =	shalt  }
0x71: {  	_ =	shalt  }
0x72: {  	_ =	shalt  }
0x73: {  	_ =	shalt  }
0x74: {  	_ =	shalt  }
0x75: {  	_ =	shalt  }
0x76: {  	_ =	shalt  }
0x77: {  	_ =	shalt  }
0x78: {  	_ =	shalt  }
0x79: {  	_ =	shalt  }
0x7a: {  	_ =	shalt  }
0x7b: {  	_ =	shalt  }
0x7c: {  	_ =	shalt  }
0x7d: {  	_ =	shalt  }
0x7e: {  	_ =	shalt  }
0x7f: {  	_ =	shalt  }
0x80: {  	_ =	shalt  }
0x81: {  	_ =	shalt  }
0x82: {  	_ =	shalt  }
0x83: {  	_ =	shalt  }
0x84: {  	_ =	shalt  }
0x85: {  	_ =	shalt  }
0x86: {  	_ =	shalt  }
0x87: {  	_ =	shalt  }
.Lfunc_end0:
.L_simem_size_0:
called_computation_lowered:
.L_overlay_start_0:
0x88: {  	s2 =	sld [smem:$0x3FD9]  }
0x89: {  	s3 =	sld [smem:$0x3FFE];
	_ =	sdelay $0x1  }
0x8a: {  	s1 =	srdreg.scid  }
0x8b: {  	s0 =	sand.u32 $0x1, s1  }
0x8c: {  	s17 =	sshll.u32 s0, $0xA;
	s2 =	sadd.s32 s3, s2  }
0x8d: {  	s2 =	sadd.s32 s2, s17  }
0x8e: {  	[smem:$0x3FC2] =	sst s2  }
0x8f: {  	_ = 	snop  }
0x90: {  	s2 =	sld [smem:$0x3FC9];
	(tm) =	ssettm $0x1  }
0x91: {  	s18 =	sld [smem:$0x3FFB];
	_ =	sdelay $0x3  }
0x92: {  	_ =	strace s18  }
0x93: {  	s3 =	sld [smem:$0x3FFC];
	_ =	sdelay $0x3  }
0x94: {  	_ =	strace s3  }
0x95: {  	s3 =	sld [smem:$0x3FFD];
	_ =	sdelay $0x3  }
0x96: {  	_ =	strace s3  }
0x97: {  	_ =	strace $0x8FFFFFFF  }
0x98: {  	s19 =	sld [smem:$0x3FDB];
	_ =	sdelay $0x1  }
0x99: {  	s4 =	simm.s32 $_scs_section_size  }
0x9a: {  	s5 =	simm.s32 $_size__tile_overlayer_lowered;
	s6 =	simm.s32 $_tile_overlayer_lowered  }
0x9b: {  	s22 =	simm.s32 $0x1BFF;
	s21 =	sshll.u32 s6, $0x1;
	s3 =	sadd.s32 s4, s19  }
0x9c: {  	s7 =	simm.s32 $0x0;
	s20 =	sshll.u32 s5, $0x1;
	s5 =	sadd.s32 s21, s3  }
0x9d: {  	[timem:s7], [sflag:s22] =	dma.local [hbm:s5], s20  }
0x9e: {  	_ =	swait.ge [sflag:s22], s20  }
0x9f: {  	s4 =	ssub.s32 $0x0, s20;
	[sflag:s22] =	ssyncset.done $0x0  }
0xa0: {  	[sflag:s22] =	ssyncadd.s32 s4;
	_ =	sdelay $0x1  }
0xa1: {  	s23 =	simm.s32 $0x1B8B  }
0xa2: {  	_ =	swait.ge [sflag:s23], $0x1  }
0xa3: {  	[sflag:s23] =	ssyncset.done $0x0  }
0xa4: {  	s25 =	simm.s32 $0x1B8E;
	s24 =	sld [smem:$0x3FFE];
	[sflag:s23] =	ssyncadd.s32 $0xFFFFFFFF  }
0xa5: {  	s26 =	simm.s32 $execute0_lowered;
	[smem:$0x3FD2] =	sst s25  }
0xa6: {  	s5 =	sshll.u32 s26, $0x1;
	_ =	strace $0x80000046;
	[dreg:$0x1] =	wrdreg $0xFFFFFFFF  }
0xa7: {  	s28 =	simm.s32 $_size_execute0_lowered;
	s3 =	sadd.s32 s3, s5;
	[dreg:$0x0] =	wrdreg $0x0  }
0xa8: {  	s5 =	sshll.u32 s28, $0x1;
	[dreg:$0x2] =	wrdreg s3  }
0xa9: {  	[dreg:$0x3] =	wrdreg s5  }
0xaa: {  	[dreg:$0x4] =	wrdreg $0xC0  }
0xab: {  	_ =	task [dreg:s7], $0x5FFFF  }
0xac: {  	[dreg:$0x1] =	wrdreg $0xFFFFFFFF  }
0xad: {  	[dreg:$0x0] =	wrdreg $0x60  }
0xae: {  	[dreg:$0x2] =	wrdreg s2  }
0xaf: {  	[dreg:$0x3] =	wrdreg s24  }
0xb0: {  	[dreg:$0x4] =	wrdreg $0xBE500  }
0xb1: {  	[dreg:$0x5] =	wrdreg $0xC6500  }
0xb2: {  	[dreg:$0x6] =	wrdreg $0x9  }
0xb3: {  	_ =	task.clear_ibuf [dreg:s7], $0x7FFFF;
	_ =	strace $0x90000046  }
0xb4: {  	s29 =	simm.s32 $0x9;
	_ =	strace $0x80000048  }
0xb5: {  	_ =	swait.ge [sflag:s29], $0x1  }
0xb6: {  	[sflag:s29] =	ssyncadd.s32 $0xFFFFFFFF  }
0xb7: {  	_ =	strace $0x90000048  }
0xb8: {  	_ =	sfence  }
0xb9: {  	s30 =	sld [smem:$0x0];
	_ =	sdelay $0x2  }
0xba: {  	s31 =	sshll.u32 s1, $0xD;
	s1 =	sshrl.u32 s1, $0x2  }
0xbb: {  	s3 =	sand.u32 $0x4000, s31;
	s1 =	sadd.s32 s1, s30  }
0xbc: {  	s0 =	sor.u32 s3, s0;
	s1 =	sshll.u32 s1, $0x11  }
0xbd: {  	s0 =	sor.u32 s1, s0  }
0xbe: {  	s0 =	sadd.s32 $0x8F2B, s0  }
0xbf: {  	[sflag:s0] =	ssyncadd.remote.s32 $0x1  }
0xc0: {  	_ =	sfence.sel $0xFFFF  }
0xc1: {  	[dreg:$0x0] =	wrdreg $0xFFFFFFFF;
	(pc) =	sbr.abs _section_cstart, $3  }
0xc2: {  	[dreg:$0x1] =	wrdreg $0xFFFFFFFF  }
0xc3: {  	_ =	task.clear_ibuf [dreg:s7], $0x2FFFF;
	_ =	strace $0x9FFFFFFF  }
0xc4: {  	(tm) =	ssettm $0x7FFFFFFF  }
0xc5: {  	_ =	shalt  }
tec
execute0_lowered:
.L_overlay_start_1:
0x0: {  	(tag) =	ssettag $0x1  }
0x1: {  	s1 =	rddreg [dreg:$0x0]  }
0x2: {  	s0 =	rddreg [dreg:$0x1]  }
0x3: {  	s2 =	rddreg [dreg:$0x2]  }
0x4: {  	s4 =	rddreg [dreg:$0x3];
	s3 =	simm.s32 $0x0;
	s10 =	stileid.u32  }
0x5: {  	s5 =	srdreg.scid;
	s28 =	simm.s32 $0x7D;
	s29 =	simm.s32 $0x80  }
0x6: {  	s30 =	simm.s32 $0x2;
	[smem:$0x7FF] =	sst s3;
	s17 =	smul.u32 $0xA00, s10  }
0x7: {  	s5 =	sand.u32 $0x1, s5;
	s6 =	sshll.u32 s10, $0xC;
	s8 =	sshll.u32 s10, $0xA  }
0x8: {  	s18 =	sadd.s32 $0x2000, s2;
	s19 =	sadd.s32 $0x800, s4;
	s20 =	smul.u32 $0x271000, s10  }
0x9: {  	s21 =	sadd.s32 $0x4000, s2;
	_ =	strace $0x80000047;
	[dreg:$0x6] =	wrdreg s18  }
0xa: {  	s22 =	sadd.s32 $0x1000, s4;
	s11 =	sadd.s32 $0x6000, s2;
	[dreg:$0x7] =	wrdreg s19  }
0xb: {  	s12 =	sadd.s32 $0x1800, s4;
	s7 =	ssub.s32 $0x2, s5;
	[dreg:$0x8] =	wrdreg s21  }
0xc: {  	s6 =	sadd.s32 s6, s0;
	[dreg:$0x9] =	wrdreg s22;
	s23 =	sshll.u32 s5, $0x6  }
0xd: {  	s14 =	sshll.u32 s5, $0x10;
	s21 =	simm.s32 $0x9650;
	s22 =	simm.s32 $0xB650  }
0xe: {  	p0 =	sne.s32 s5, $0x0;
	s3 =	sadd.s32 s17, s0;
	s9 =	sshrl.u32 s7, $0x1  }
0xf: {  	s0 =	sadd.s32 s8, s0;
	s6 =	sadd.s32 s14, s6;
	s7 =	ssub.s32 s7, s9  }
0x10: {  	s3 =	sadd.s32 $0xC00, s3;
	s15 =	sadd.s32 $0xAC00, s6;
	s16 =	sadd.s32 $0x2AC00, s0  }
0x11: {  	s0 =	simm.s32 $0x0;
	[dreg:$0x5] =	wrdreg s3;
	s3 =	sor.u32 s23, s20  }
0x12: {  	s17 =	smax.u32 s7, $0x1;
	s20 =	simm.s32 $0x3;
	s23 =	simm.s32 $0x40  }
0x13: {  	s8 =	sshrl.u32 s3, $0x3;
	s24 =	sadd.s32 $0x3E80, s3;
	s26 =	sadd.s32 $0xBB80, s3  }
0x14: {  	s19 =	sadd.s32 $0x7D00, s3;
	s13 =	sadd.s32 s1, s8;
	s25 =	sshrl.u32 s24, $0x3  }
0x15: {  	s31 =	sshrl.u32 s26, $0x3;
	s24 =	simm.s32 $0x5000;
	s26 =	simm.s32 $0x1  }
0x16: {  	v0 =	vimm.f32 $0.0e+00;
	v1 =	vimm.f32 $1.000000000e+00;
	s14 =	sadd.s32 s1, s25;
	s18 =	sadd.s32 s31, s1;
	s25 =	simm.s32 $0x6F40  }
.LBB2_1:
0x17: {  	s3 =	simm.s32 $0x0;
	s5 =	rddreg [dreg:$0x5]  }
0x18: {  	[tilespmem:s3], [sflag:$0x3] =	stream.linear.gather [hbm4b:s5+s3], $0x5000, $0x38;
	[tilespmem:$0xC850] =	vst v63  }
0x19: {  	_ =	swait.ge [sflag:s20], $0x5000  }
0x1a: {  	[sflag:s20] =	ssyncset.done $0x0  }
0x1b: {  	s3 =	simm.s32 $0x9670;
	s5 =	simm.s32 $0x0;
	[sflag:s20] =	ssyncadd.s32 $0xFFFFB000  }
.LBB2_2:
0x1c: {  	p1 =	sne.s32 s5, $0x1FC0  }
.Ltmp0:
0x1d: {  	[tilespmem:s3+$0xFFFFFFE0] =	vst v0;
	(pc) =	sbr.rel @p1 .LBB2_2-.Ltmp0, $4  }
0x1e: {  	[tilespmem:s3+$0xFFFFFFF0] =	vst v0  }
0x1f: {  	[tilespmem:s3+$0x0] =	vst v0  }
0x20: {  	[tilespmem:s3+$0x10] =	vst v0;
	s6 =	sshra.s32 s5, $0x2  }
0x21: {  	s3 =	sadd.s32 $0x40, s3;
	s5 =	sadd.s32 $0x40, s5;
	[tilespmem:s6+$0xB650] =	vst v0  }
0x22: {  	s3 =	simm.s32 $0x40;
	s5 =	simm.s32 $0x0  }
.LBB2_4:
0x23: {  	p1 =	sne.s32 s3, $0x1F00;
	[tilespmem:s5+$0x8E80] =	vst v1;
	s5 =	smov.u32 s3;
	s3 =	sadd.s32 $0x40, s3  }
.Ltmp1:
0x24: {  	(pc) =	sbr.rel @p1 .LBB2_4-.Ltmp1, $2  }
0x25: {  	_ =	sdelay $0x2  }
0x26: {  	s5 =	sshra.s32 s5, $0x2  }
0x27: {  	[tilespmem:s5+$0x8E80] =	vst v1  }
0x28: {  	[spmem:s2] =	stream.linear.scatter [tilespmem:s21], [sflag:$0x3], $0x2000, $0x38;
	[tilespmem:$0xC850] =	vst v63  }
0x29: {  	_ =	swait.ge [sflag:s20], $0x2000  }
0x2a: {  	[sflag:s20] =	ssyncset.done $0x0  }
0x2b: {  	[sflag:s20] =	ssyncadd.s32 $0xFFFFE000  }
0x2c: {  	[spmem:s4] =	stream.linear.scatter [tilespmem:s22], [sflag:$0x3], $0x800, $0x38;
	[tilespmem:$0xC850] =	vst v63  }
0x2d: {  	_ =	swait.ge [sflag:s20], $0x800  }
0x2e: {  	[sflag:s20] =	ssyncset.done $0x0  }
0x2f: {  	s3 =	rddreg [dreg:$0x6];
	[sflag:s20] =	ssyncadd.s32 $0xFFFFF800  }
0x30: {  	[spmem:s3] =	stream.linear.scatter [tilespmem:s21], [sflag:$0x3], $0x2000, $0x38;
	[tilespmem:$0xC850] =	vst v63  }
0x31: {  	_ =	swait.ge [sflag:s20], $0x2000  }
0x32: {  	[sflag:s20] =	ssyncset.done $0x0  }
0x33: {  	s7 =	rddreg [dreg:$0x7];
	[sflag:s20] =	ssyncadd.s32 $0xFFFFE000  }
0x34: {  	[spmem:s7] =	stream.linear.scatter [tilespmem:s22], [sflag:$0x3], $0x800, $0x38;
	[tilespmem:$0xC850] =	vst v63  }
0x35: {  	_ =	swait.ge [sflag:s20], $0x800  }
0x36: {  	[sflag:s20] =	ssyncset.done $0x0  }
0x37: {  	s8 =	rddreg [dreg:$0x8];
	[sflag:s20] =	ssyncadd.s32 $0xFFFFF800  }
0x38: {  	[spmem:s8] =	stream.linear.scatter [tilespmem:s21], [sflag:$0x3], $0x2000, $0x38;
	[tilespmem:$0xC850] =	vst v63  }
0x39: {  	_ =	swait.ge [sflag:s20], $0x2000  }
0x3a: {  	[sflag:s20] =	ssyncset.done $0x0  }
0x3b: {  	s9 =	rddreg [dreg:$0x9];
	[sflag:s20] =	ssyncadd.s32 $0xFFFFE000  }
0x3c: {  	[spmem:s9] =	stream.linear.scatter [tilespmem:s22], [sflag:$0x3], $0x800, $0x38;
	[tilespmem:$0xC850] =	vst v63  }
0x3d: {  	_ =	swait.ge [sflag:s20], $0x800  }
0x3e: {  	[sflag:s20] =	ssyncset.done $0x0  }
0x3f: {  	[sflag:s20] =	ssyncadd.s32 $0xFFFFF800  }
0x40: {  	[spmem:s11] =	stream.linear.scatter [tilespmem:s21], [sflag:$0x3], $0x2000, $0x38;
	[tilespmem:$0xC850] =	vst v63  }
0x41: {  	_ =	swait.ge [sflag:s20], $0x2000  }
0x42: {  	[sflag:s20] =	ssyncset.done $0x0  }
0x43: {  	[sflag:s20] =	ssyncadd.s32 $0xFFFFE000  }
0x44: {  	[spmem:s12] =	stream.linear.scatter [tilespmem:s22], [sflag:$0x3], $0x800, $0x38;
	[tilespmem:$0xC850] =	vst v63  }
0x45: {  	_ =	swait.ge [sflag:s20], $0x800  }
0x46: {  	[sflag:s20] =	ssyncset.done $0x0  }
0x47: {  	s6 =	simm.s32 $0x80;
	[sflag:s20] =	ssyncadd.s32 $0xFFFFF800  }
0x48: {  	[tilespmem:s24], [sflag:$0x1] =	stream.strided.gather [hbm4b:s13+s23], $0x1F40, s6, s23, $0x38;
	[tilespmem:$0xC850] =	vst v63  }
0x49: {  	_ = 	snop  }
0x4a: {  	[tilespmem:s25], [sflag:$0x2] =	stream.strided.gather [hbm4b:s14+s23], $0x1F40, s6, s23, $0x38;
	[tilespmem:$0xC850] =	vst v63  }
0x4b: {  	_ =	swait.ge [sflag:s26], $0x1F40  }
0x4c: {  	[sflag:s26] =	ssyncset.done $0x0  }
0x4d: {  	s7 =	simm.s32 $0x0;
	[sflag:s26] =	ssyncadd.s32 $0xFFFFE0C0  }
0x4e: {  	[spmem:s2] =	stream.indirect.scatter.add.f32 [tilespmem:s24], [sflag:$0x3], $0x40, s7, s28, $0xb8;
	[tilespmem:$0xC850] =	vst v63  }
0x4f: {  	_ =	swait.ge [sflag:s20], $0x1F40  }
0x50: {  	s5 =	simm.s32 @!p0 $0x3;
	[sflag:s20] =	ssyncset.done $0x0  }
0x51: {  	s31 =	simm.s32 @!p0 $0x8E80;
	s3 =	simm.s32 @!p0 $0x7D;
	[sflag:s20] =	ssyncadd.s32 $0xFFFFE0C0  }
0x52: {  	[spmem:s4] =	stream.indirect.scatter.add.f32 @!p0 [tilespmem:s31], [sflag:$0x3], $0x10, s7, s3, $0xb8;
	[tilespmem:$0xC850] =	vst v63  }
0x53: {  	_ =	swait.ge @!p0 [sflag:s5], $0x7D0  }
0x54: {  	s10 =	sshrl.u32 s19, $0x3;
	[sflag:s5] =	ssyncset.done @!p0 $0x0  }
0x55: {  	s7 =	sadd.s32 s1, s10;
	[sflag:s5] =	ssyncadd.s32 @!p0 $0xFFFFF830  }
0x56: {  	[tilespmem:s24], [sflag:$0x1] =	stream.strided.gather [hbm4b:s7+s23], $0x1F40, s29, s23, $0x38;
	[tilespmem:$0xC850] =	vst v63  }
0x57: {  	_ =	swait.ge [sflag:s30], $0x1F40  }
0x58: {  	[sflag:s30] =	ssyncset.done $0x0  }
0x59: {  	[sflag:s30] =	ssyncadd.s32 $0xFFFFE0C0  }
0x5a: {  	[spmem:s2] =	stream.indirect.scatter.add.f32 [tilespmem:s25], [sflag:$0x3], $0x40, s6, s28, $0xb8;
	[tilespmem:$0xC850] =	vst v63  }
0x5b: {  	_ =	swait.ge [sflag:s20], $0x1F40  }
0x5c: {  	[sflag:s20] =	ssyncset.done $0x0  }
0x5d: {  	[sflag:s20] =	ssyncadd.s32 $0xFFFFE0C0  }
0x5e: {  	[spmem:s4] =	stream.indirect.scatter.add.f32 @!p0 [tilespmem:s31], [sflag:$0x3], $0x10, s6, s3, $0xb8;
	[tilespmem:$0xC850] =	vst v63  }
0x5f: {  	_ =	swait.ge @!p0 [sflag:s5], $0x7D0  }
0x60: {  	s8 =	simm.s32 $0x180;
	s9 =	sadd.s32 $0x0, s18;
	[sflag:s5] =	ssyncset.done @!p0 $0x0  }
0x61: {  	s7 =	sadd.s32 $0x7D00, s19;
	s6 =	simm.s32 $0xFA0;
	[sflag:s5] =	ssyncadd.s32 @!p0 $0xFFFFF830  }
.LBB2_6:
0x62: {  	[tilespmem:s25], [sflag:$0x2] =	stream.strided.gather [hbm4b:s9+s23], $0x1F40, s29, s23, $0x38;
	[tilespmem:$0xC850] =	vst v63  }
0x63: {  	s9 =	smov.u32 s6;
	s6 =	sadd.s32 $0xFA0, s6;
	_ =	swait.ge [sflag:s26], $0x1F40  }
0x64: {  	p1 =	sne.s32 s6, $0x4D260;
	[sflag:s26] =	ssyncset.done $0x0  }
0x65: {  	s10 =	sadd.s32 $0xFFFFFF80, s8;
	[sflag:s26] =	ssyncadd.s32 $0xFFFFE0C0  }
0x66: {  	[spmem:s2] =	stream.indirect.scatter.add.f32 [tilespmem:s24], [sflag:$0x3], $0x40, s10, s28, $0xb8;
	[tilespmem:$0xC850] =	vst v63  }
0x67: {  	_ =	swait.ge [sflag:s20], $0x1F40  }
0x68: {  	[sflag:s20] =	ssyncset.done $0x0  }
0x69: {  	[sflag:s20] =	ssyncadd.s32 $0xFFFFE0C0  }
0x6a: {  	[spmem:s4] =	stream.indirect.scatter.add.f32 @!p0 [tilespmem:s31], [sflag:$0x3], $0x10, s10, s3, $0xb8;
	[tilespmem:$0xC850] =	vst v63  }
0x6b: {  	_ =	swait.ge @!p0 [sflag:s5], $0x7D0  }
0x6c: {  	s10 =	sshrl.u32 s7, $0x3;
	[sflag:s5] =	ssyncset.done @!p0 $0x0  }
0x6d: {  	s10 =	sadd.s32 s1, s10;
	[sflag:s5] =	ssyncadd.s32 @!p0 $0xFFFFF830  }
0x6e: {  	[tilespmem:s24], [sflag:$0x1] =	stream.strided.gather [hbm4b:s10+s23], $0x1F40, s29, s23, $0x38;
	[tilespmem:$0xC850] =	vst v63  }
0x6f: {  	_ =	swait.ge [sflag:s30], $0x1F40  }
0x70: {  	[sflag:s30] =	ssyncset.done $0x0  }
0x71: {  	[sflag:s30] =	ssyncadd.s32 $0xFFFFE0C0  }
0x72: {  	[spmem:s2] =	stream.indirect.scatter.add.f32 [tilespmem:s25], [sflag:$0x3], $0x40, s8, s28, $0xb8;
	[tilespmem:$0xC850] =	vst v63  }
0x73: {  	_ =	swait.ge [sflag:s20], $0x1F40  }
0x74: {  	[sflag:s20] =	ssyncset.done $0x0  }
.Ltmp2:
0x75: {  	[sflag:s20] =	ssyncadd.s32 $0xFFFFE0C0;
	(pc) =	sbr.rel @p1 .LBB2_6-.Ltmp2, $4  }
0x76: {  	[spmem:s4] =	stream.indirect.scatter.add.f32 @!p0 [tilespmem:s31], [sflag:$0x3], $0x10, s8, s3, $0xb8;
	[tilespmem:$0xC850] =	vst v63  }
0x77: {  	_ =	swait.ge @!p0 [sflag:s5], $0x7D0  }
0x78: {  	s7 =	sadd.s32 $0x7D00, s7;
	[sflag:s5] =	ssyncset.done @!p0 $0x0  }
0x79: {  	s9 =	sadd.s32 s9, s18;
	s8 =	sadd.s32 $0x100, s8;
	[sflag:s5] =	ssyncadd.s32 @!p0 $0xFFFFF830  }
0x7a: {  	[tilespmem:s25], [sflag:$0x2] =	stream.strided.gather [hbm4b:s9+s23], $0x1F40, s29, s23, $0x38;
	[tilespmem:$0xC850] =	vst v63  }
0x7b: {  	_ =	swait.ge [sflag:s26], $0x1F40  }
0x7c: {  	[sflag:s26] =	ssyncset.done $0x0  }
0x7d: {  	s6 =	simm.s32 $0x4F00;
	[sflag:s26] =	ssyncadd.s32 $0xFFFFE0C0  }
0x7e: {  	[spmem:s2] =	stream.indirect.scatter.add.f32 [tilespmem:s24], [sflag:$0x3], $0x40, s6, s28, $0xb8;
	[tilespmem:$0xC850] =	vst v63  }
0x7f: {  	_ =	swait.ge [sflag:s20], $0x1F40  }
0x80: {  	[sflag:s20] =	ssyncset.done $0x0  }
0x81: {  	s6 =	simm.s32 @p0 $0x2;
	[sflag:s20] =	ssyncadd.s32 $0xFFFFE0C0  }
0x82: {  	_ =	swait.ge @p0 [sflag:s6], $0x1F40  }
0x83: {  	s7 =	simm.s32 @p0 $0x4F80;
	[sflag:s6] =	ssyncset.done @p0 $0x0  }
0x84: {  	s8 =	simm.s32 @p0 $0x6F40;
	[sflag:s6] =	ssyncadd.s32 @p0 $0xFFFFE0C0;
	s6 =	simm.s32 @p0 $0x7D  }
0x85: {  	[spmem:s2] =	stream.indirect.scatter.add.f32 @p0 [tilespmem:s8], [sflag:$0x3], $0x40, s7, s6, $0xb8;
	[tilespmem:$0xC850] =	vst v63  }
0x86: {  	s6 =	simm.s32 @p0 $0x3  }
0x87: {  	_ =	swait.ge @p0 [sflag:s6], $0x1F40  }
0x88: {  	[sflag:s6] =	ssyncset.done @p0 $0x0  }
0x89: {  	[sflag:s6] =	ssyncadd.s32 @p0 $0xFFFFE0C0;
	s6 =	simm.s32 @!p0 $0x4F00  }
0x8a: {  	[spmem:s4] =	stream.indirect.scatter.add.f32 @!p0 [tilespmem:s31], [sflag:$0x3], $0x10, s6, s3, $0xb8;
	[tilespmem:$0xC850] =	vst v63  }
0x8b: {  	_ =	swait.ge @!p0 [sflag:s5], $0x7D0  }
0x8c: {  	[sflag:s5] =	ssyncset.done @!p0 $0x0  }
0x8d: {  	s6 =	simm.s32 @!p0 $0x2;
	[sflag:s5] =	ssyncadd.s32 @!p0 $0xFFFFF830  }
0x8e: {  	_ =	swait.ge @!p0 [sflag:s6], $0x1F40  }
0x8f: {  	[sflag:s6] =	ssyncset.done @!p0 $0x0  }
0x90: {  	s7 =	simm.s32 @!p0 $0x6F40;
	[sflag:s6] =	ssyncadd.s32 @!p0 $0xFFFFE0C0;
	s6 =	simm.s32 @!p0 $0x4F80  }
0x91: {  	[spmem:s2] =	stream.indirect.scatter.add.f32 @!p0 [tilespmem:s7], [sflag:$0x3], $0x40, s6, s3, $0xb8;
	[tilespmem:$0xC850] =	vst v63  }
0x92: {  	_ =	swait.ge @!p0 [sflag:s5], $0x1F40  }
0x93: {  	[sflag:s5] =	ssyncset.done @!p0 $0x0  }
0x94: {  	[sflag:s5] =	ssyncadd.s32 @!p0 $0xFFFFE0C0  }
0x95: {  	[spmem:s4] =	stream.indirect.scatter.add.f32 @!p0 [tilespmem:s31], [sflag:$0x3], $0x10, s6, s3, $0xb8;
	[tilespmem:$0xC850] =	vst v63  }
0x96: {  	s10 =	stileid.u32;
	_ =	swait.ge @!p0 [sflag:s5], $0x7D0  }
0x97: {  	s3 =	sshll.u32 s10, $0x6;
	[sflag:s5] =	ssyncset.done @!p0 $0x0  }
0x98: {  	s31 =	sshrl.u32 s2, $0x3;
	s3 =	sor.u32 $0x1C03, s3;
	[sflag:s5] =	ssyncadd.s32 @!p0 $0xFFFFF830  }
0x99: {  	[hbm:s15], [sflag:s3] =	dma.local [spmem:s31], $0x1000  }
0x9a: {  	s0 =	sadd.s32 $0x1, s0;
	_ =	swait.ge [sflag:s20], $0x1000  }
0x9b: {  	p1 =	sne.s32 s0, s17;
	[sflag:s20] =	ssyncset.done $0x0  }
.Ltmp3:
0x9c: {  	s6 =	sshrl.u32 @!p0 s4, $0x3;
	[sflag:s20] =	ssyncadd.s32 $0xFFFFF000;
	(pc) =	sbr.rel @p1 .LBB2_1-.Ltmp3, $4  }
0x9d: {  	[hbm:s16], [sflag:s3] =	dma.local @!p0 [spmem:s6], $0x400  }
0x9e: {  	_ =	swait.ge @!p0 [sflag:s5], $0x400  }
0x9f: {  	[sflag:s5] =	ssyncset.done @!p0 $0x0  }
0xa0: {  	[sflag:s5] =	ssyncadd.s32 @!p0 $0xFFFFFC00  }
0xa1: {  	_ =	sfence.sel $0x180000  }
0xa2: {  	[bflag:$0x0] =	sbarrier.arrive $0xFFFF  }
0xa3: {  	_ =	strace $0x90000047  }
0xa4: {  	s0 =	stileid.u32;
	[bflag:$0x2] =	sbarrier.arrive $0xFFFF  }
0xa5: {  	p0 =	sne.s32 s0, $0x0;
	s0 =	rddreg [dreg:$0x4]  }
0xa6: {  	s0 =	sadd.s32 @!p0 $0x100000, s0  }
0xa7: {  	[sflag:s0] =	ssyncadd.tile.s32 @!p0 $0x1;
	_ =	shalt  }
.Lfunc_end2:
_tile_overlayer_lowered:
.L_overlay_start_2:
0xa8: {  	(tag) =	ssettag $0x2  }
0xa9: {  	s0 =	rddreg [dreg:$0x0];
	s2 =	stileid.u32  }
0xaa: {  	s1 =	rddreg [dreg:$0x1];
	p0 =	sne.s32 s2, $0x0  }
0xab: {  	s3 =	rddreg [dreg:$0x2];
	[bflag:$0x3] =	sbarrier.arrive $0xFFFF;
	s2 =	simm.s32 @!p0 $0x1C03  }
0xac: {  	[timem:s3], [sflag:s2] =	dma.local @!p0 [hbm:s0], s1  }
0xad: {  	s0 =	simm.s32 @!p0 $0x3  }
0xae: {  	_ =	swait.ge @!p0 [sflag:s0], s1  }
0xaf: {  	s1 =	ssub.s32 @!p0 $0x0, s1;
	[sflag:s0] =	ssyncset.done @!p0 $0x0  }
0xb0: {  	[sflag:s0] =	ssyncadd.s32 @!p0 s1  }
0xb1: {  	[bflag:$0x3] =	sbarrier.arrive $0xFFFF  }
0xb2: {  	_ =	shalt  }

</sc_bundles>
